<compile_context>
chip_gen: v7x
topology: tpu7x:2x2x1
jax: 0.10.2.dev20260603
libtpu: 0.0.44.dev20260713+nightly
codegen_flags: <defaults>
</compile_context>

<pallas_src>
import functools
import math

import jax
import jax.numpy as jnp
import numpy as np
from jax import lax
from jax.experimental import pallas as pl
from jax.experimental.pallas import tpu as pltpu

_LAMBDA_INIT = 0.8 - 0.6 * math.exp(-0.3 * 2048)


def _round_up(x, m):
    return (x + m - 1) // m * m


@functools.lru_cache(maxsize=None)
def _dft_weights(L):
    F2 = L // 2
    t = np.arange(L)
    f = np.arange(F2)
    ang = 2.0 * np.pi * np.outer(f, t) / L
    Fc = np.cos(ang).astype(np.float32)
    Fs = (-np.sin(ang)).astype(np.float32)
    w = np.where(f == 0, 1.0, 2.0) / L
    ICc = np.ascontiguousarray((np.cos(ang) * w[:, None]).T).astype(np.float32)
    ICi = np.ascontiguousarray((-np.sin(ang) * w[:, None]).T).astype(np.float32)
    return Fc, Fs, ICc, ICi


def _hi_lo(x):
    hi = x.astype(jnp.bfloat16)
    lo = (x - hi.astype(jnp.float32)).astype(jnp.bfloat16)
    return hi, lo


def _dot3(wh, wl, xh, xl):
    f32 = jnp.float32
    return (jnp.dot(wh, xh, preferred_element_type=f32)
            + jnp.dot(wh, xl, preferred_element_type=f32)
            + jnp.dot(wl, xh, preferred_element_type=f32))


def _stage1_body(HE, B, L, g_ref, qh_ref, ql_ref, kh_ref, kl_ref,
                 fch_ref, fcl_ref, fsh_ref, fsl_ref,
                 icch_ref, iccl_ref, icih_ref, icil_ref, out_ref):
    b = pl.program_id(0)
    h2 = pl.program_id(1)

    qh = qh_ref[0]
    ql = ql_ref[0]
    kh = kh_ref[0]
    kl = kl_ref[0]
    qr = _dot3(fch_ref[...], fcl_ref[...], qh, ql)
    qi = _dot3(fsh_ref[...], fsl_ref[...], qh, ql)
    kr = _dot3(fch_ref[...], fcl_ref[...], kh, kl)
    ki = _dot3(fsh_ref[...], fsl_ref[...], kh, kl)
    rr = qr * kr + qi * ki
    ri = qi * kr - qr * ki
    rrh, rrl = _hi_lo(rr)
    rih, ril = _hi_lo(ri)
    c = (_dot3(icch_ref[...], iccl_ref[...], rrh, rrl)
         + _dot3(icih_ref[...], icil_ref[...], rih, ril))

    alt = (1.0 - 2.0 * (lax.broadcasted_iota(jnp.int32, (L, 1), 0) % 2)
           ).astype(jnp.float32)
    qa = (jnp.sum(qh * alt, axis=0, keepdims=True)
          + jnp.sum(ql * alt, axis=0, keepdims=True))
    ka = (jnp.sum(kh * alt, axis=0, keepdims=True)
          + jnp.sum(kl * alt, axis=0, keepdims=True))
    c = c + alt * (qa * ka * (1.0 / L))

    m = jnp.max(c, axis=0, keepdims=True)
    e = jnp.exp(c - m)
    s = jnp.sum(e, axis=0, keepdims=True)
    col = jnp.sum(e / s, axis=1, keepdims=True)
    contrib = col * (g_ref[0, 0] / HE)
    lane = lax.broadcasted_iota(jnp.int32, (L, B), 1)
    cur = out_ref[...]
    base = jnp.where(h2 > 0, cur, jnp.zeros_like(cur))
    out_ref[...] = jnp.where(lane == b, base + contrib, cur)


def _stage2_body(L, B, K7, KP, mv_ref, d_ref, w_ref):
    x = mv_ref[...]
    row = lax.broadcasted_iota(jnp.int32, (L, B), 0)
    krow = lax.broadcasted_iota(jnp.int32, (KP, B), 0)
    dmat = jnp.zeros((KP, B), jnp.int32)
    wmat = jnp.full((KP, B), -jnp.inf, jnp.float32)
    v0 = None
    for i in range(K7):
        m = jnp.max(x, axis=0, keepdims=True)
        idx = jnp.min(jnp.where(x >= m, row, L), axis=0, keepdims=True)
        dmat = jnp.where(krow == i, idx, dmat)
        wmat = jnp.where(krow == i, m, wmat)
        if v0 is None:
            v0 = m
        x = jnp.where(row == idx, -jnp.inf, x)
    e = jnp.exp(wmat - v0)
    w = e / jnp.sum(e, axis=0, keepdims=True)
    d_ref[...] = dmat
    w_ref[...] = w


def _stage3_body(L, K7, d_ref, w_ref, v_ref, o_ref, v2_ref):
    b = pl.program_id(0)
    v = v_ref[0, 0]
    v2_ref[pl.ds(0, L), :] = v
    v2_ref[pl.ds(L, L), :] = v
    acc = jnp.zeros(v.shape, jnp.float32)
    for i in range(K7):
        d = d_ref[i, b]
        w = w_ref[i, b]
        acc = acc + w * v2_ref[pl.ds(d, L), :]
    o_ref[0, 0] = acc


def kernel(Q, K, V, l_q1, l_k1, l_q2, l_k2):
    B, H, L, E = Q.shape
    HE = H * E
    K7 = max(1, int(math.log(L)))
    KP = _round_up(K7, 8)
    HEb = min(256, HE)
    NH2 = HE // HEb

    l1 = jnp.exp(jnp.sum(l_q1 * l_k1))
    l2 = jnp.exp(jnp.sum(l_q2 * l_k2))
    g = 1.0 - (l1 - l2 + _LAMBDA_INIT)
    g_arr = jnp.reshape(g, (1, 1)).astype(jnp.float32)

    Qt = jnp.transpose(Q, (0, 2, 1, 3)).reshape(B, L, HE)
    Kt = jnp.transpose(K, (0, 2, 1, 3)).reshape(B, L, HE)
    Qh, Ql = _hi_lo(Qt)
    Kh, Kl = _hi_lo(Kt)

    Fc, Fs, ICc, ICi = _dft_weights(L)
    F2 = Fc.shape[0]
    fw = []
    for wmat in (Fc, Fs, ICc, ICi):
        hi, lo = _hi_lo(wmat)
        fw.append(jnp.asarray(hi))
        fw.append(jnp.asarray(lo))

    data_spec = pl.BlockSpec((1, L, HEb), lambda b, h: (b, 0, h))
    fwd_spec = pl.BlockSpec((F2, L), lambda b, h: (0, 0))
    inv_spec = pl.BlockSpec((L, F2), lambda b, h: (0, 0))
    mv = pl.pallas_call(
        functools.partial(_stage1_body, HE, B, L),
        grid=(B, NH2),
        in_specs=[
            pl.BlockSpec(memory_space=pltpu.SMEM),
            data_spec, data_spec, data_spec, data_spec,
            fwd_spec, fwd_spec, fwd_spec, fwd_spec,
            inv_spec, inv_spec, inv_spec, inv_spec,
        ],
        out_specs=pl.BlockSpec((L, B), lambda b, h: (0, 0)),
        out_shape=jax.ShapeDtypeStruct((L, B), jnp.float32),
        compiler_params=pltpu.CompilerParams(vmem_limit_bytes=100 * 1024 * 1024),
    )(g_arr, Qh, Ql, Kh, Kl, *fw)

    delays, weights = pl.pallas_call(
        functools.partial(_stage2_body, L, B, K7, KP),
        in_specs=[pl.BlockSpec((L, B), lambda: (0, 0))],
        out_specs=[
            pl.BlockSpec((KP, B), lambda: (0, 0)),
            pl.BlockSpec((KP, B), lambda: (0, 0)),
        ],
        out_shape=[
            jax.ShapeDtypeStruct((KP, B), jnp.int32),
            jax.ShapeDtypeStruct((KP, B), jnp.float32),
        ],
    )(mv)

    out = pl.pallas_call(
        functools.partial(_stage3_body, L, K7),
        grid=(B, H),
        in_specs=[
            pl.BlockSpec((KP, B), lambda b, h: (0, 0), memory_space=pltpu.SMEM),
            pl.BlockSpec((KP, B), lambda b, h: (0, 0), memory_space=pltpu.SMEM),
            pl.BlockSpec((1, 1, L, E), lambda b, h: (b, h, 0, 0)),
        ],
        out_specs=pl.BlockSpec((1, 1, L, E), lambda b, h: (b, h, 0, 0)),
        out_shape=jax.ShapeDtypeStruct((B, H, L, E), jnp.float32),
        scratch_shapes=[pltpu.VMEM((2 * L, E), jnp.float32)],
    )(delays, weights, V)

    return out

# --- scband reference (transcript-rebuilt; emitter-appended) ---
"""Pipeline reference for scband-attention-9887014715880 (READ-ONLY COPY).

The authoritative reference and input builder live on the scoring server;
editing this copy changes nothing except your own understanding.
"""

import jax, jax.numpy as jnp
import numpy as np
import math

B, H, L, E = 4, 16, 2048, 64
FACTOR = 1
DEPTH = 2048
# lambda_init_fn in the source references undefined x1, x2; we use the standard
# Differential Transformer constants: 0.8 - 0.6 * exp(-0.3 * depth)
L_INIT = 0.8 - 0.6 * math.exp(-0.3 * DEPTH)


def setup_inputs(seed: int = 0) -> dict:
    key = jax.random.key(seed)
    k1, k2, k3, k4, k5, k6, k7 = jax.random.split(key, 7)
    Q = jax.random.normal(k1, (B, H, L, E), dtype=jnp.float32)
    K = jax.random.normal(k2, (B, H, L, E), dtype=jnp.float32)
    V = jax.random.normal(k3, (B, H, L, E), dtype=jnp.float32)
    l_q1 = jax.random.normal(k4, (FACTOR,), dtype=jnp.float32) * 0.1
    l_k1 = jax.random.normal(k5, (FACTOR,), dtype=jnp.float32) * 0.1
    l_q2 = jax.random.normal(k6, (FACTOR,), dtype=jnp.float32) * 0.1
    l_k2 = jax.random.normal(k7, (FACTOR,), dtype=jnp.float32) * 0.1
    return {"Q": Q, "K": K, "V": V, "l_q1": l_q1, "l_k1": l_k1, "l_q2": l_q2, "l_k2": l_k2}


def reference(Q, K, V, l_q1, l_k1, l_q2, l_k2):
    b, h, l, e = Q.shape
    # S == L, so K/V truncation branch is a no-op
    Kc = K[:, :, :l, :]
    Vc = V[:, :, :l, :]
    q_perm = jnp.transpose(Q, (0, 1, 3, 2))  # [B,H,E,L]
    k_perm = jnp.transpose(Kc, (0, 1, 3, 2))
    q_fft = jnp.fft.rfft(q_perm, axis=-1)
    k_fft = jnp.fft.rfft(k_perm, axis=-1)
    res = q_fft * jnp.conj(k_fft)
    corr = jnp.fft.irfft(res, n=l, axis=-1)  # [B,H,E,L]; dropout p=0 -> identity (eval)
    l1 = jnp.exp(jnp.sum(l_q1 * l_k1))
    l2 = jnp.exp(jnp.sum(l_q2 * l_k2))
    l_full = l1 - l2 + L_INIT
    attn_weights_1 = jax.nn.softmax(corr, axis=-1)
    attn_weights_2 = jax.nn.softmax(corr, axis=-1)
    diff_attn_weights = attn_weights_1 - l_full * attn_weights_2
    # eval mode -> time_delay_agg_inference
    values = jnp.transpose(Vc, (0, 1, 3, 2))  # [B,H,E,L]
    top_k = int(FACTOR * math.log(l))
    mean_value = jnp.mean(jnp.mean(diff_attn_weights, axis=1), axis=1)  # [B,L]
    weights, delay = jax.lax.top_k(mean_value, top_k)  # [B,top_k]
    tmp_corr = jax.nn.softmax(weights, axis=-1)
    tmp_values = jnp.concatenate([values, values], axis=-1)  # [B,H,E,2L]
    init_index = jnp.arange(l, dtype=jnp.int32)[None, None, None, :]  # [1,1,1,L]
    delays_agg = jnp.zeros_like(values)
    for i in range(top_k):
        tmp_delay = init_index + delay[:, i][:, None, None, None]  # [B,1,1,L]
        idx = jnp.broadcast_to(tmp_delay, (b, h, e, l))
        pattern = jnp.take_along_axis(tmp_values, idx, axis=-1)
        delays_agg = delays_agg + pattern * tmp_corr[:, i][:, None, None, None]
    out = jnp.transpose(delays_agg, (0, 1, 3, 2))  # [B,H,L,E]
    return out

if __name__ == "__main__":
    import jax
    _d = setup_inputs()
    print(jax.jit(kernel)(*tuple(_d.values())))

</pallas_src>

<mosaic_0001>
module attributes {stable_mosaic.version = 14 : i64} {
  func.func @_stage1_body(%arg0: i32, %arg1: i32, %arg2: memref<1x1xf32, #tpu.memory_space<smem>>, %arg3: memref<1x2048x256xbf16, #tpu.memory_space<vmem>>, %arg4: memref<1x2048x256xbf16, #tpu.memory_space<vmem>>, %arg5: memref<1x2048x256xbf16, #tpu.memory_space<vmem>>, %arg6: memref<1x2048x256xbf16, #tpu.memory_space<vmem>>, %arg7: memref<1024x2048xbf16, #tpu.memory_space<vmem>>, %arg8: memref<1024x2048xbf16, #tpu.memory_space<vmem>>, %arg9: memref<1024x2048xbf16, #tpu.memory_space<vmem>>, %arg10: memref<1024x2048xbf16, #tpu.memory_space<vmem>>, %arg11: memref<2048x1024xbf16, #tpu.memory_space<vmem>>, %arg12: memref<2048x1024xbf16, #tpu.memory_space<vmem>>, %arg13: memref<2048x1024xbf16, #tpu.memory_space<vmem>>, %arg14: memref<2048x1024xbf16, #tpu.memory_space<vmem>>, %arg15: memref<2048x4xf32, #tpu.memory_space<vmem>>) attributes {dimension_semantics = [#tpu.dimension_semantics<arbitrary>, #tpu.dimension_semantics<arbitrary>], iteration_bounds = array<i64: 4, 4>, scalar_prefetch = 0 : i64, scratch_operands = 0 : i64, tpu.core_type = #tpu.core_type<tc>, window_params = [{transform_indices = @transform_0, window_bounds = array<i64: 1, 1>}, {transform_indices = @transform_1, window_bounds = array<i64: 1, 2048, 256>}, {transform_indices = @transform_2, window_bounds = array<i64: 1, 2048, 256>}, {transform_indices = @transform_3, window_bounds = array<i64: 1, 2048, 256>}, {transform_indices = @transform_4, window_bounds = array<i64: 1, 2048, 256>}, {pipeline_mode = #tpu.pipeline_mode<synchronous>, transform_indices = @transform_5, window_bounds = array<i64: 1024, 2048>}, {pipeline_mode = #tpu.pipeline_mode<synchronous>, transform_indices = @transform_6, window_bounds = array<i64: 1024, 2048>}, {pipeline_mode = #tpu.pipeline_mode<synchronous>, transform_indices = @transform_7, window_bounds = array<i64: 1024, 2048>}, {pipeline_mode = #tpu.pipeline_mode<synchronous>, transform_indices = @transform_8, window_bounds = array<i64: 1024, 2048>}, {pipeline_mode = #tpu.pipeline_mode<synchronous>, transform_indices = @transform_9, window_bounds = array<i64: 2048, 1024>}, {pipeline_mode = #tpu.pipeline_mode<synchronous>, transform_indices = @transform_10, window_bounds = array<i64: 2048, 1024>}, {pipeline_mode = #tpu.pipeline_mode<synchronous>, transform_indices = @transform_11, window_bounds = array<i64: 2048, 1024>}, {pipeline_mode = #tpu.pipeline_mode<synchronous>, transform_indices = @transform_12, window_bounds = array<i64: 2048, 1024>}, {pipeline_mode = #tpu.pipeline_mode<synchronous>, transform_indices = @transform_13, window_bounds = array<i64: 2048, 4>}]} {
    %get3A = arith.constant 0 : index
    %get3A_0 = arith.constant 0 : index
    %get3A_1 = arith.constant 0 : index
    %get3A_2 = vector.load %arg3[%get3A, %get3A_0, %get3A_1] : memref<1x2048x256xbf16, #tpu.memory_space<vmem>>, vector<1x2048x256xbf16>
    %get3A_3 = vector.shape_cast %get3A_2 : vector<1x2048x256xbf16> to vector<2048x256xbf16>
    %get3A_4 = arith.constant 0 : index
    %get3A_5 = arith.constant 0 : index
    %get3A_6 = arith.constant 0 : index
    %get3A_7 = vector.load %arg4[%get3A_4, %get3A_5, %get3A_6] : memref<1x2048x256xbf16, #tpu.memory_space<vmem>>, vector<1x2048x256xbf16>
    %get3A_8 = vector.shape_cast %get3A_7 : vector<1x2048x256xbf16> to vector<2048x256xbf16>
    %get3A_9 = arith.constant 0 : index
    %get3A_10 = arith.constant 0 : index
    %get3A_11 = arith.constant 0 : index
    %get3A_12 = vector.load %arg5[%get3A_9, %get3A_10, %get3A_11] : memref<1x2048x256xbf16, #tpu.memory_space<vmem>>, vector<1x2048x256xbf16>
    %get3A_13 = vector.shape_cast %get3A_12 : vector<1x2048x256xbf16> to vector<2048x256xbf16>
    %get3A_14 = arith.constant 0 : index
    %get3A_15 = arith.constant 0 : index
    %get3A_16 = arith.constant 0 : index
    %get3A_17 = vector.load %arg6[%get3A_14, %get3A_15, %get3A_16] : memref<1x2048x256xbf16, #tpu.memory_space<vmem>>, vector<1x2048x256xbf16>
    %get3A_18 = vector.shape_cast %get3A_17 : vector<1x2048x256xbf16> to vector<2048x256xbf16>
    %get3A_19 = arith.constant 0 : index
    %get3A_20 = arith.constant 0 : index
    %get3A_21 = vector.load %arg7[%get3A_19, %get3A_20] : memref<1024x2048xbf16, #tpu.memory_space<vmem>>, vector<1024x2048xbf16>
    %get3A_22 = arith.constant 0 : index
    %get3A_23 = arith.constant 0 : index
    %get3A_24 = vector.load %arg8[%get3A_22, %get3A_23] : memref<1024x2048xbf16, #tpu.memory_space<vmem>>, vector<1024x2048xbf16>
    %dot_general3A = arith.constant dense<0.000000e+00> : vector<1024x256xf32>
    %dot_general3A_25 = tpu.matmul %get3A_21, %get3A_3, %dot_general3A {dimension_numbers = #tpu.dot_dimension_numbers<[1], [0], [0], [1], [0, 0, 1, 1], [], []>, transpose_lhs_hint = false} : vector<1024x2048xbf16>, vector<2048x256xbf16>, vector<1024x256xf32> -> vector<1024x256xf32>
    %dot_general3A_26 = arith.constant dense<0.000000e+00> : vector<1024x256xf32>
    %dot_general3A_27 = tpu.matmul %get3A_21, %get3A_8, %dot_general3A_26 {dimension_numbers = #tpu.dot_dimension_numbers<[1], [0], [0], [1], [0, 0, 1, 1], [], []>, transpose_lhs_hint = false} : vector<1024x2048xbf16>, vector<2048x256xbf16>, vector<1024x256xf32> -> vector<1024x256xf32>
    %add3A = arith.addf %dot_general3A_25, %dot_general3A_27 : vector<1024x256xf32>
    %dot_general3A_28 = arith.constant dense<0.000000e+00> : vector<1024x256xf32>
    %dot_general3A_29 = tpu.matmul %get3A_24, %get3A_3, %dot_general3A_28 {dimension_numbers = #tpu.dot_dimension_numbers<[1], [0], [0], [1], [0, 0, 1, 1], [], []>, transpose_lhs_hint = false} : vector<1024x2048xbf16>, vector<2048x256xbf16>, vector<1024x256xf32> -> vector<1024x256xf32>
    %add3A_30 = arith.addf %add3A, %dot_general3A_29 : vector<1024x256xf32>
    %get3A_31 = arith.constant 0 : index
    %get3A_32 = arith.constant 0 : index
    %get3A_33 = vector.load %arg9[%get3A_31, %get3A_32] : memref<1024x2048xbf16, #tpu.memory_space<vmem>>, vector<1024x2048xbf16>
    %get3A_34 = arith.constant 0 : index
    %get3A_35 = arith.constant 0 : index
    %get3A_36 = vector.load %arg10[%get3A_34, %get3A_35] : memref<1024x2048xbf16, #tpu.memory_space<vmem>>, vector<1024x2048xbf16>
    %dot_general3A_37 = arith.constant dense<0.000000e+00> : vector<1024x256xf32>
    %dot_general3A_38 = tpu.matmul %get3A_33, %get3A_3, %dot_general3A_37 {dimension_numbers = #tpu.dot_dimension_numbers<[1], [0], [0], [1], [0, 0, 1, 1], [], []>, transpose_lhs_hint = false} : vector<1024x2048xbf16>, vector<2048x256xbf16>, vector<1024x256xf32> -> vector<1024x256xf32>
    %dot_general3A_39 = arith.constant dense<0.000000e+00> : vector<1024x256xf32>
    %dot_general3A_40 = tpu.matmul %get3A_33, %get3A_8, %dot_general3A_39 {dimension_numbers = #tpu.dot_dimension_numbers<[1], [0], [0], [1], [0, 0, 1, 1], [], []>, transpose_lhs_hint = false} : vector<1024x2048xbf16>, vector<2048x256xbf16>, vector<1024x256xf32> -> vector<1024x256xf32>
    %add3A_41 = arith.addf %dot_general3A_38, %dot_general3A_40 : vector<1024x256xf32>
    %dot_general3A_42 = arith.constant dense<0.000000e+00> : vector<1024x256xf32>
    %dot_general3A_43 = tpu.matmul %get3A_36, %get3A_3, %dot_general3A_42 {dimension_numbers = #tpu.dot_dimension_numbers<[1], [0], [0], [1], [0, 0, 1, 1], [], []>, transpose_lhs_hint = false} : vector<1024x2048xbf16>, vector<2048x256xbf16>, vector<1024x256xf32> -> vector<1024x256xf32>
    %add3A_44 = arith.addf %add3A_41, %dot_general3A_43 : vector<1024x256xf32>
    %get3A_45 = arith.constant 0 : index
    %get3A_46 = arith.constant 0 : index
    %get3A_47 = vector.load %arg7[%get3A_45, %get3A_46] : memref<1024x2048xbf16, #tpu.memory_space<vmem>>, vector<1024x2048xbf16>
    %get3A_48 = arith.constant 0 : index
    %get3A_49 = arith.constant 0 : index
    %get3A_50 = vector.load %arg8[%get3A_48, %get3A_49] : memref<1024x2048xbf16, #tpu.memory_space<vmem>>, vector<1024x2048xbf16>
    %dot_general3A_51 = arith.constant dense<0.000000e+00> : vector<1024x256xf32>
    %dot_general3A_52 = tpu.matmul %get3A_47, %get3A_13, %dot_general3A_51 {dimension_numbers = #tpu.dot_dimension_numbers<[1], [0], [0], [1], [0, 0, 1, 1], [], []>, transpose_lhs_hint = false} : vector<1024x2048xbf16>, vector<2048x256xbf16>, vector<1024x256xf32> -> vector<1024x256xf32>
    %dot_general3A_53 = arith.constant dense<0.000000e+00> : vector<1024x256xf32>
    %dot_general3A_54 = tpu.matmul %get3A_47, %get3A_18, %dot_general3A_53 {dimension_numbers = #tpu.dot_dimension_numbers<[1], [0], [0], [1], [0, 0, 1, 1], [], []>, transpose_lhs_hint = false} : vector<1024x2048xbf16>, vector<2048x256xbf16>, vector<1024x256xf32> -> vector<1024x256xf32>
    %add3A_55 = arith.addf %dot_general3A_52, %dot_general3A_54 : vector<1024x256xf32>
    %dot_general3A_56 = arith.constant dense<0.000000e+00> : vector<1024x256xf32>
    %dot_general3A_57 = tpu.matmul %get3A_50, %get3A_13, %dot_general3A_56 {dimension_numbers = #tpu.dot_dimension_numbers<[1], [0], [0], [1], [0, 0, 1, 1], [], []>, transpose_lhs_hint = false} : vector<1024x2048xbf16>, vector<2048x256xbf16>, vector<1024x256xf32> -> vector<1024x256xf32>
    %add3A_58 = arith.addf %add3A_55, %dot_general3A_57 : vector<1024x256xf32>
    %get3A_59 = arith.constant 0 : index
    %get3A_60 = arith.constant 0 : index
    %get3A_61 = vector.load %arg9[%get3A_59, %get3A_60] : memref<1024x2048xbf16, #tpu.memory_space<vmem>>, vector<1024x2048xbf16>
    %get3A_62 = arith.constant 0 : index
    %get3A_63 = arith.constant 0 : index
    %get3A_64 = vector.load %arg10[%get3A_62, %get3A_63] : memref<1024x2048xbf16, #tpu.memory_space<vmem>>, vector<1024x2048xbf16>
    %dot_general3A_65 = arith.constant dense<0.000000e+00> : vector<1024x256xf32>
    %dot_general3A_66 = tpu.matmul %get3A_61, %get3A_13, %dot_general3A_65 {dimension_numbers = #tpu.dot_dimension_numbers<[1], [0], [0], [1], [0, 0, 1, 1], [], []>, transpose_lhs_hint = false} : vector<1024x2048xbf16>, vector<2048x256xbf16>, vector<1024x256xf32> -> vector<1024x256xf32>
    %dot_general3A_67 = arith.constant dense<0.000000e+00> : vector<1024x256xf32>
    %dot_general3A_68 = tpu.matmul %get3A_61, %get3A_18, %dot_general3A_67 {dimension_numbers = #tpu.dot_dimension_numbers<[1], [0], [0], [1], [0, 0, 1, 1], [], []>, transpose_lhs_hint = false} : vector<1024x2048xbf16>, vector<2048x256xbf16>, vector<1024x256xf32> -> vector<1024x256xf32>
    %add3A_69 = arith.addf %dot_general3A_66, %dot_general3A_68 : vector<1024x256xf32>
    %dot_general3A_70 = arith.constant dense<0.000000e+00> : vector<1024x256xf32>
    %dot_general3A_71 = tpu.matmul %get3A_64, %get3A_13, %dot_general3A_70 {dimension_numbers = #tpu.dot_dimension_numbers<[1], [0], [0], [1], [0, 0, 1, 1], [], []>, transpose_lhs_hint = false} : vector<1024x2048xbf16>, vector<2048x256xbf16>, vector<1024x256xf32> -> vector<1024x256xf32>
    %add3A_72 = arith.addf %add3A_69, %dot_general3A_71 : vector<1024x256xf32>
    %mul3A = arith.mulf %add3A_30, %add3A_58 : vector<1024x256xf32>
    %mul3A_73 = arith.mulf %add3A_44, %add3A_72 : vector<1024x256xf32>
    %add3A_74 = arith.addf %mul3A, %mul3A_73 : vector<1024x256xf32>
    %mul3A_75 = arith.mulf %add3A_44, %add3A_58 : vector<1024x256xf32>
    %mul3A_76 = arith.mulf %add3A_30, %add3A_72 : vector<1024x256xf32>
    %sub3A = arith.subf %mul3A_75, %mul3A_76 : vector<1024x256xf32>
    %convert_element_type3A = arith.truncf %add3A_74 : vector<1024x256xf32> to vector<1024x256xbf16>
    %convert_element_type3A_77 = arith.extf %convert_element_type3A : vector<1024x256xbf16> to vector<1024x256xf32>
    %sub3A_78 = arith.subf %add3A_74, %convert_element_type3A_77 : vector<1024x256xf32>
    %convert_element_type3A_79 = arith.truncf %sub3A_78 : vector<1024x256xf32> to vector<1024x256xbf16>
    %convert_element_type3A_80 = arith.truncf %sub3A : vector<1024x256xf32> to vector<1024x256xbf16>
    %convert_element_type3A_81 = arith.extf %convert_element_type3A_80 : vector<1024x256xbf16> to vector<1024x256xf32>
    %sub3A_82 = arith.subf %sub3A, %convert_element_type3A_81 : vector<1024x256xf32>
    %convert_element_type3A_83 = arith.truncf %sub3A_82 : vector<1024x256xf32> to vector<1024x256xbf16>
    %get3A_84 = arith.constant 0 : index
    %get3A_85 = arith.constant 0 : index
    %get3A_86 = vector.load %arg11[%get3A_84, %get3A_85] : memref<2048x1024xbf16, #tpu.memory_space<vmem>>, vector<2048x1024xbf16>
    %get3A_87 = arith.constant 0 : index
    %get3A_88 = arith.constant 0 : index
    %get3A_89 = vector.load %arg12[%get3A_87, %get3A_88] : memref<2048x1024xbf16, #tpu.memory_space<vmem>>, vector<2048x1024xbf16>
    %dot_general3A_90 = arith.constant dense<0.000000e+00> : vector<2048x256xf32>
    %dot_general3A_91 = tpu.matmul %get3A_86, %convert_element_type3A, %dot_general3A_90 {dimension_numbers = #tpu.dot_dimension_numbers<[1], [0], [0], [1], [0, 0, 1, 1], [], []>, transpose_lhs_hint = false} : vector<2048x1024xbf16>, vector<1024x256xbf16>, vector<2048x256xf32> -> vector<2048x256xf32>
    %dot_general3A_92 = arith.constant dense<0.000000e+00> : vector<2048x256xf32>
    %dot_general3A_93 = tpu.matmul %get3A_86, %convert_element_type3A_79, %dot_general3A_92 {dimension_numbers = #tpu.dot_dimension_numbers<[1], [0], [0], [1], [0, 0, 1, 1], [], []>, transpose_lhs_hint = false} : vector<2048x1024xbf16>, vector<1024x256xbf16>, vector<2048x256xf32> -> vector<2048x256xf32>
    %add3A_94 = arith.addf %dot_general3A_91, %dot_general3A_93 : vector<2048x256xf32>
    %dot_general3A_95 = arith.constant dense<0.000000e+00> : vector<2048x256xf32>
    %dot_general3A_96 = tpu.matmul %get3A_89, %convert_element_type3A, %dot_general3A_95 {dimension_numbers = #tpu.dot_dimension_numbers<[1], [0], [0], [1], [0, 0, 1, 1], [], []>, transpose_lhs_hint = false} : vector<2048x1024xbf16>, vector<1024x256xbf16>, vector<2048x256xf32> -> vector<2048x256xf32>
    %add3A_97 = arith.addf %add3A_94, %dot_general3A_96 : vector<2048x256xf32>
    %get3A_98 = arith.constant 0 : index
    %get3A_99 = arith.constant 0 : index
    %get3A_100 = vector.load %arg13[%get3A_98, %get3A_99] : memref<2048x1024xbf16, #tpu.memory_space<vmem>>, vector<2048x1024xbf16>
    %get3A_101 = arith.constant 0 : index
    %get3A_102 = arith.constant 0 : index
    %get3A_103 = vector.load %arg14[%get3A_101, %get3A_102] : memref<2048x1024xbf16, #tpu.memory_space<vmem>>, vector<2048x1024xbf16>
    %dot_general3A_104 = arith.constant dense<0.000000e+00> : vector<2048x256xf32>
    %dot_general3A_105 = tpu.matmul %get3A_100, %convert_element_type3A_80, %dot_general3A_104 {dimension_numbers = #tpu.dot_dimension_numbers<[1], [0], [0], [1], [0, 0, 1, 1], [], []>, transpose_lhs_hint = false} : vector<2048x1024xbf16>, vector<1024x256xbf16>, vector<2048x256xf32> -> vector<2048x256xf32>
    %dot_general3A_106 = arith.constant dense<0.000000e+00> : vector<2048x256xf32>
    %dot_general3A_107 = tpu.matmul %get3A_100, %convert_element_type3A_83, %dot_general3A_106 {dimension_numbers = #tpu.dot_dimension_numbers<[1], [0], [0], [1], [0, 0, 1, 1], [], []>, transpose_lhs_hint = false} : vector<2048x1024xbf16>, vector<1024x256xbf16>, vector<2048x256xf32> -> vector<2048x256xf32>
    %add3A_108 = arith.addf %dot_general3A_105, %dot_general3A_107 : vector<2048x256xf32>
    %dot_general3A_109 = arith.constant dense<0.000000e+00> : vector<2048x256xf32>
    %dot_general3A_110 = tpu.matmul %get3A_103, %convert_element_type3A_80, %dot_general3A_109 {dimension_numbers = #tpu.dot_dimension_numbers<[1], [0], [0], [1], [0, 0, 1, 1], [], []>, transpose_lhs_hint = false} : vector<2048x1024xbf16>, vector<1024x256xbf16>, vector<2048x256xf32> -> vector<2048x256xf32>
    %add3A_111 = arith.addf %add3A_108, %dot_general3A_110 : vector<2048x256xf32>
    %add3A_112 = arith.addf %add3A_97, %add3A_111 : vector<2048x256xf32>
    %iota3A = tpu.iota {dimensions = array<i32: 0>} : vector<2048x1xi32>
    %jit3A = arith.constant 2 : i32
    %eq3A = arith.constant 0 : i32
    %eq3A_113 = arith.cmpi eq, %jit3A, %eq3A : i32
    %jit3A_114 = arith.constant 1 : i32
    %select_n3A = arith.select %eq3A_113, %jit3A_114, %jit3A : i32
    %rem3A = vector.broadcast %select_n3A : i32 to vector<2048x1xi32>
    %rem3A_115 = arith.remsi %iota3A, %rem3A : vector<2048x1xi32>
    %ne3A = arith.constant 0 : i32
    %ne3A_116 = vector.broadcast %ne3A : i32 to vector<2048x1xi32>
    %ne3A_117 = arith.cmpi ne, %rem3A_115, %ne3A_116 : vector<2048x1xi32>
    %lt3A = arith.constant 0 : i32
    %lt3A_118 = vector.broadcast %lt3A : i32 to vector<2048x1xi32>
    %lt3A_119 = arith.cmpi slt, %rem3A_115, %lt3A_118 : vector<2048x1xi32>
    %lt3A_120 = arith.constant 0 : i32
    %lt3A_121 = arith.cmpi slt, %select_n3A, %lt3A_120 : i32
    %ne3A_122 = vector.broadcast %lt3A_121 : i1 to vector<2048x1xi1>
    %ne3A_123 = vector.broadcast %ne3A_122 : vector<2048x1xi1> to vector<2048x1xi1>
    %ne3A_124 = arith.xori %lt3A_119, %ne3A_123 : vector<2048x1xi1>
    %and3A = arith.andi %ne3A_124, %ne3A_117 : vector<2048x1xi1>
    %add3A_125 = vector.broadcast %select_n3A : i32 to vector<2048x1xi32>
    %add3A_126 = arith.addi %rem3A_115, %add3A_125 : vector<2048x1xi32>
    %select_n3A_127 = arith.select %and3A, %add3A_126, %rem3A_115 : vector<2048x1xi1>, vector<2048x1xi32>
    %convert_element_type3A_128 = arith.sitofp %select_n3A_127 : vector<2048x1xi32> to vector<2048x1xf32>
    %mul3A_129 = arith.constant 2.000000e+00 : f32
    %mul3A_130 = vector.broadcast %mul3A_129 : f32 to vector<2048x1xf32>
    %mul3A_131 = arith.mulf %mul3A_130, %convert_element_type3A_128 : vector<2048x1xf32>
    %sub3A_132 = arith.constant 1.000000e+00 : f32
    %sub3A_133 = vector.broadcast %sub3A_132 : f32 to vector<2048x1xf32>
    %sub3A_134 = arith.subf %sub3A_133, %mul3A_131 : vector<2048x1xf32>
    %convert_element_type3A_135 = arith.extf %get3A_3 : vector<2048x256xbf16> to vector<2048x256xf32>
    %mul3A_136 = vector.broadcast %sub3A_134 : vector<2048x1xf32> to vector<2048x256xf32>
    %mul3A_137 = arith.mulf %convert_element_type3A_135, %mul3A_136 : vector<2048x256xf32>
    %reduce_sum3A = arith.constant dense<0.000000e+00> : vector<256xf32>
    %reduce_sum3A_138 = vector.multi_reduction <add>, %mul3A_137, %reduce_sum3A [0] : vector<2048x256xf32> to vector<256xf32>
    %broadcast_in_dim3A = vector.shape_cast %reduce_sum3A_138 : vector<256xf32> to vector<1x256xf32>
    %convert_element_type3A_139 = arith.extf %get3A_8 : vector<2048x256xbf16> to vector<2048x256xf32>
    %mul3A_140 = vector.broadcast %sub3A_134 : vector<2048x1xf32> to vector<2048x256xf32>
    %mul3A_141 = arith.mulf %convert_element_type3A_139, %mul3A_140 : vector<2048x256xf32>
    %reduce_sum3A_142 = arith.constant dense<0.000000e+00> : vector<256xf32>
    %reduce_sum3A_143 = vector.multi_reduction <add>, %mul3A_141, %reduce_sum3A_142 [0] : vector<2048x256xf32> to vector<256xf32>
    %broadcast_in_dim3A_144 = vector.shape_cast %reduce_sum3A_143 : vector<256xf32> to vector<1x256xf32>
    %add3A_145 = arith.addf %broadcast_in_dim3A, %broadcast_in_dim3A_144 : vector<1x256xf32>
    %convert_element_type3A_146 = arith.extf %get3A_13 : vector<2048x256xbf16> to vector<2048x256xf32>
    %mul3A_147 = vector.broadcast %sub3A_134 : vector<2048x1xf32> to vector<2048x256xf32>
    %mul3A_148 = arith.mulf %convert_element_type3A_146, %mul3A_147 : vector<2048x256xf32>
    %reduce_sum3A_149 = arith.constant dense<0.000000e+00> : vector<256xf32>
    %reduce_sum3A_150 = vector.multi_reduction <add>, %mul3A_148, %reduce_sum3A_149 [0] : vector<2048x256xf32> to vector<256xf32>
    %broadcast_in_dim3A_151 = vector.shape_cast %reduce_sum3A_150 : vector<256xf32> to vector<1x256xf32>
    %convert_element_type3A_152 = arith.extf %get3A_18 : vector<2048x256xbf16> to vector<2048x256xf32>
    %mul3A_153 = vector.broadcast %sub3A_134 : vector<2048x1xf32> to vector<2048x256xf32>
    %mul3A_154 = arith.mulf %convert_element_type3A_152, %mul3A_153 : vector<2048x256xf32>
    %reduce_sum3A_155 = arith.constant dense<0.000000e+00> : vector<256xf32>
    %reduce_sum3A_156 = vector.multi_reduction <add>, %mul3A_154, %reduce_sum3A_155 [0] : vector<2048x256xf32> to vector<256xf32>
    %broadcast_in_dim3A_157 = vector.shape_cast %reduce_sum3A_156 : vector<256xf32> to vector<1x256xf32>
    %add3A_158 = arith.addf %broadcast_in_dim3A_151, %broadcast_in_dim3A_157 : vector<1x256xf32>
    %mul3A_159 = arith.mulf %add3A_145, %add3A_158 : vector<1x256xf32>
    %mul3A_160 = arith.constant 4.8828125E-4 : f32
    %mul3A_161 = vector.broadcast %mul3A_160 : f32 to vector<1x256xf32>
    %mul3A_162 = arith.mulf %mul3A_159, %mul3A_161 : vector<1x256xf32>
    %mul3A_163 = vector.broadcast %sub3A_134 : vector<2048x1xf32> to vector<2048x256xf32>
    %mul3A_164 = vector.broadcast %mul3A_162 : vector<1x256xf32> to vector<2048x256xf32>
    %mul3A_165 = arith.mulf %mul3A_163, %mul3A_164 : vector<2048x256xf32>
    %add3A_166 = arith.addf %add3A_112, %mul3A_165 : vector<2048x256xf32>
    %reduce_max3A = arith.constant dense<0xFF800000> : vector<256xf32>
    %reduce_max3A_167 = vector.multi_reduction <maximumf>, %add3A_166, %reduce_max3A [0] : vector<2048x256xf32> to vector<256xf32>
    %broadcast_in_dim3A_168 = vector.shape_cast %reduce_max3A_167 : vector<256xf32> to vector<1x256xf32>
    %sub3A_169 = vector.broadcast %broadcast_in_dim3A_168 : vector<1x256xf32> to vector<2048x256xf32>
    %sub3A_170 = arith.subf %add3A_166, %sub3A_169 : vector<2048x256xf32>
    %exp3A = math.exp %sub3A_170 : vector<2048x256xf32>
    %reduce_sum3A_171 = arith.constant dense<0.000000e+00> : vector<256xf32>
    %reduce_sum3A_172 = vector.multi_reduction <add>, %exp3A, %reduce_sum3A_171 [0] : vector<2048x256xf32> to vector<256xf32>
    %broadcast_in_dim3A_173 = vector.shape_cast %reduce_sum3A_172 : vector<256xf32> to vector<1x256xf32>
    %div3A = vector.broadcast %broadcast_in_dim3A_173 : vector<1x256xf32> to vector<2048x256xf32>
    %div3A_174 = arith.divf %exp3A, %div3A : vector<2048x256xf32>
    %reduce_sum3A_175 = arith.constant dense<0.000000e+00> : vector<2048xf32>
    %reduce_sum3A_176 = vector.multi_reduction <add>, %div3A_174, %reduce_sum3A_175 [1] : vector<2048x256xf32> to vector<2048xf32>
    %broadcast_in_dim3A_177 = vector.shape_cast %reduce_sum3A_176 : vector<2048xf32> to vector<2048x1xf32>
    %get3A_178 = arith.constant 0 : index
    %get3A_179 = arith.constant 0 : index
    %get3A_180 = memref.load %arg2[%get3A_178, %get3A_179] : memref<1x1xf32, #tpu.memory_space<smem>>
    %div3A_181 = arith.constant 1.024000e+03 : f32
    %div3A_182 = arith.divf %get3A_180, %div3A_181 : f32
    %mul3A_183 = vector.broadcast %div3A_182 : f32 to vector<2048x1xf32>
    %mul3A_184 = arith.mulf %broadcast_in_dim3A_177, %mul3A_183 : vector<2048x1xf32>
    %iota3A_185 = tpu.iota {dimensions = array<i32: 1>} : vector<2048x4xi32>
    %get3A_186 = arith.constant 0 : index
    %get3A_187 = arith.constant 0 : index
    %get3A_188 = vector.load %arg15[%get3A_186, %get3A_187] : memref<2048x4xf32, #tpu.memory_space<vmem>>, vector<2048x4xf32>
    %gt3A = arith.constant 0 : i32
    %gt3A_189 = arith.cmpi sgt, %arg1, %gt3A : i32
    %broadcast_in_dim3A_190 = arith.constant 0.000000e+00 : f32
    %broadcast_in_dim3A_191 = vector.broadcast %broadcast_in_dim3A_190 : f32 to vector<2048x4xf32>
    %select_n3A_192 = arith.select %gt3A_189, %get3A_188, %broadcast_in_dim3A_191 : vector<2048x4xf32>
    %eq3A_193 = vector.broadcast %arg0 : i32 to vector<2048x4xi32>
    %eq3A_194 = arith.cmpi eq, %iota3A_185, %eq3A_193 : vector<2048x4xi32>
    %add3A_195 = vector.broadcast %mul3A_184 : vector<2048x1xf32> to vector<2048x4xf32>
    %add3A_196 = arith.addf %select_n3A_192, %add3A_195 : vector<2048x4xf32>
    %select_n3A_197 = arith.select %eq3A_194, %add3A_196, %get3A_188 : vector<2048x4xi1>, vector<2048x4xf32>
    %swap3A = arith.constant 0 : index
    %swap3A_198 = arith.constant 0 : index
    %swap3A_199 = vector.load %arg15[%swap3A, %swap3A_198] : memref<2048x4xf32, #tpu.memory_space<vmem>>, vector<2048x4xf32>
    tpu.vector_store %arg15[%swap3A, %swap3A_198], %select_n3A_197 {strides = array<i32>} : memref<2048x4xf32, #tpu.memory_space<vmem>>, vector<2048x4xf32>,
    return
  }
  func.func @transform_0(%arg0: i32, %arg1: i32) -> (i32, i32) {
    %c0_i32 = arith.constant 0 : i32
    %c0_i32_0 = arith.constant 0 : i32
    %c0_i32_1 = arith.constant 0 : i32
    return %c0_i32, %c0_i32_0 : i32, i32
  }
  func.func @transform_1(%arg0: i32, %arg1: i32) -> (i32, i32, i32) {
    %c0_i32 = arith.constant 0 : i32
    %c0_i32_0 = arith.constant 0 : i32
    return %arg0, %c0_i32, %arg1 : i32, i32, i32
  }
  func.func @transform_2(%arg0: i32, %arg1: i32) -> (i32, i32, i32) {
    %c0_i32 = arith.constant 0 : i32
    %c0_i32_0 = arith.constant 0 : i32
    return %arg0, %c0_i32, %arg1 : i32, i32, i32
  }
  func.func @transform_3(%arg0: i32, %arg1: i32) -> (i32, i32, i32) {
    %c0_i32 = arith.constant 0 : i32
    %c0_i32_0 = arith.constant 0 : i32
    return %arg0, %c0_i32, %arg1 : i32, i32, i32
  }
  func.func @transform_4(%arg0: i32, %arg1: i32) -> (i32, i32, i32) {
    %c0_i32 = arith.constant 0 : i32
    %c0_i32_0 = arith.constant 0 : i32
    return %arg0, %c0_i32, %arg1 : i32, i32, i32
  }
  func.func @transform_5(%arg0: i32, %arg1: i32) -> (i32, i32) {
    %c0_i32 = arith.constant 0 : i32
    %c0_i32_0 = arith.constant 0 : i32
    %c0_i32_1 = arith.constant 0 : i32
    return %c0_i32, %c0_i32_0 : i32, i32
  }
  func.func @transform_6(%arg0: i32, %arg1: i32) -> (i32, i32) {
    %c0_i32 = arith.constant 0 : i32
    %c0_i32_0 = arith.constant 0 : i32
    %c0_i32_1 = arith.constant 0 : i32
    return %c0_i32, %c0_i32_0 : i32, i32
  }
  func.func @transform_7(%arg0: i32, %arg1: i32) -> (i32, i32) {
    %c0_i32 = arith.constant 0 : i32
    %c0_i32_0 = arith.constant 0 : i32
    %c0_i32_1 = arith.constant 0 : i32
    return %c0_i32, %c0_i32_0 : i32, i32
  }
  func.func @transform_8(%arg0: i32, %arg1: i32) -> (i32, i32) {
    %c0_i32 = arith.constant 0 : i32
    %c0_i32_0 = arith.constant 0 : i32
    %c0_i32_1 = arith.constant 0 : i32
    return %c0_i32, %c0_i32_0 : i32, i32
  }
  func.func @transform_9(%arg0: i32, %arg1: i32) -> (i32, i32) {
    %c0_i32 = arith.constant 0 : i32
    %c0_i32_0 = arith.constant 0 : i32
    %c0_i32_1 = arith.constant 0 : i32
    return %c0_i32, %c0_i32_0 : i32, i32
  }
  func.func @transform_10(%arg0: i32, %arg1: i32) -> (i32, i32) {
    %c0_i32 = arith.constant 0 : i32
    %c0_i32_0 = arith.constant 0 : i32
    %c0_i32_1 = arith.constant 0 : i32
    return %c0_i32, %c0_i32_0 : i32, i32
  }
  func.func @transform_11(%arg0: i32, %arg1: i32) -> (i32, i32) {
    %c0_i32 = arith.constant 0 : i32
    %c0_i32_0 = arith.constant 0 : i32
    %c0_i32_1 = arith.constant 0 : i32
    return %c0_i32, %c0_i32_0 : i32, i32
  }
  func.func @transform_12(%arg0: i32, %arg1: i32) -> (i32, i32) {
    %c0_i32 = arith.constant 0 : i32
    %c0_i32_0 = arith.constant 0 : i32
    %c0_i32_1 = arith.constant 0 : i32
    return %c0_i32, %c0_i32_0 : i32, i32
  }
  func.func @transform_13(%arg0: i32, %arg1: i32) -> (i32, i32) {
    %c0_i32 = arith.constant 0 : i32
    %c0_i32_0 = arith.constant 0 : i32
    %c0_i32_1 = arith.constant 0 : i32
    return %c0_i32, %c0_i32_0 : i32, i32
  }
}

module attributes {stable_mosaic.version = 14 : i64} {
  func.func @_stage2_body(%arg0: memref<2048x4xf32, #tpu.memory_space<vmem>>, %arg1: memref<8x4xi32, #tpu.memory_space<vmem>>, %arg2: memref<8x4xf32, #tpu.memory_space<vmem>>) attributes {dimension_semantics = [], scalar_prefetch = 0 : i64, scratch_operands = 0 : i64, tpu.core_type = #tpu.core_type<tc>} {
    %get3A = arith.constant 0 : index
    %get3A_0 = arith.constant 0 : index
    %get3A_1 = vector.load %arg0[%get3A, %get3A_0] : memref<2048x4xf32, #tpu.memory_space<vmem>>, vector<2048x4xf32>
    %iota3A = tpu.iota {dimensions = array<i32: 0>} : vector<2048x4xi32>
    %iota3A_2 = tpu.iota {dimensions = array<i32: 0>} : vector<8x4xi32>
    %broadcast_in_dim3A = arith.constant 0 : i32
    %broadcast_in_dim3A_3 = vector.broadcast %broadcast_in_dim3A : i32 to vector<8x4xi32>
    %broadcast_in_dim3A_4 = arith.constant 0xFF800000 : f32
    %broadcast_in_dim3A_5 = vector.broadcast %broadcast_in_dim3A_4 : f32 to vector<8x4xf32>
    %reduce_max3A = arith.constant dense<0xFF800000> : vector<4xf32>
    %reduce_max3A_6 = vector.multi_reduction <maximumf>, %get3A_1, %reduce_max3A [0] : vector<2048x4xf32> to vector<4xf32>
    %broadcast_in_dim3A_7 = vector.shape_cast %reduce_max3A_6 : vector<4xf32> to vector<1x4xf32>
    %ge3A = vector.broadcast %broadcast_in_dim3A_7 : vector<1x4xf32> to vector<2048x4xf32>
    %ge3A_8 = arith.cmpf oge, %get3A_1, %ge3A : vector<2048x4xf32>
    %jit3A = arith.constant 2048 : i32
    %broadcast_in_dim3A_9 = vector.broadcast %jit3A : i32 to vector<2048x4xi32>
    %select_n3A = arith.select %ge3A_8, %iota3A, %broadcast_in_dim3A_9 : vector<2048x4xi1>, vector<2048x4xi32>
    %reduce_min3A = arith.constant dense<2147483647> : vector<4xi32>
    %reduce_min3A_10 = vector.multi_reduction <minsi>, %select_n3A, %reduce_min3A [0] : vector<2048x4xi32> to vector<4xi32>
    %broadcast_in_dim3A_11 = vector.shape_cast %reduce_min3A_10 : vector<4xi32> to vector<1x4xi32>
    %eq3A = arith.constant 0 : i32
    %eq3A_12 = vector.broadcast %eq3A : i32 to vector<8x4xi32>
    %eq3A_13 = arith.cmpi eq, %iota3A_2, %eq3A_12 : vector<8x4xi32>
    %broadcast_in_dim3A_14 = vector.shape_cast %broadcast_in_dim3A_11 : vector<1x4xi32> to vector<1x4xi32>
    %broadcast_in_dim3A_15 = vector.broadcast %broadcast_in_dim3A_14 : vector<1x4xi32> to vector<8x4xi32>
    %select_n3A_16 = arith.select %eq3A_13, %broadcast_in_dim3A_15, %broadcast_in_dim3A_3 : vector<8x4xi1>, vector<8x4xi32>
    %eq3A_17 = arith.constant 0 : i32
    %eq3A_18 = vector.broadcast %eq3A_17 : i32 to vector<8x4xi32>
    %eq3A_19 = arith.cmpi eq, %iota3A_2, %eq3A_18 : vector<8x4xi32>
    %broadcast_in_dim3A_20 = vector.shape_cast %broadcast_in_dim3A_7 : vector<1x4xf32> to vector<1x4xf32>
    %broadcast_in_dim3A_21 = vector.broadcast %broadcast_in_dim3A_20 : vector<1x4xf32> to vector<8x4xf32>
    %select_n3A_22 = arith.select %eq3A_19, %broadcast_in_dim3A_21, %broadcast_in_dim3A_5 : vector<8x4xi1>, vector<8x4xf32>
    %eq3A_23 = vector.broadcast %broadcast_in_dim3A_11 : vector<1x4xi32> to vector<2048x4xi32>
    %eq3A_24 = arith.cmpi eq, %iota3A, %eq3A_23 : vector<2048x4xi32>
    %jit3A_25 = arith.constant 0xFF800000 : f32
    %broadcast_in_dim3A_26 = vector.broadcast %jit3A_25 : f32 to vector<2048x4xf32>
    %select_n3A_27 = arith.select %eq3A_24, %broadcast_in_dim3A_26, %get3A_1 : vector<2048x4xi1>, vector<2048x4xf32>
    %reduce_max3A_28 = arith.constant dense<0xFF800000> : vector<4xf32>
    %reduce_max3A_29 = vector.multi_reduction <maximumf>, %select_n3A_27, %reduce_max3A_28 [0] : vector<2048x4xf32> to vector<4xf32>
    %broadcast_in_dim3A_30 = vector.shape_cast %reduce_max3A_29 : vector<4xf32> to vector<1x4xf32>
    %ge3A_31 = vector.broadcast %broadcast_in_dim3A_30 : vector<1x4xf32> to vector<2048x4xf32>
    %ge3A_32 = arith.cmpf oge, %select_n3A_27, %ge3A_31 : vector<2048x4xf32>
    %jit3A_33 = arith.constant 2048 : i32
    %broadcast_in_dim3A_34 = vector.broadcast %jit3A_33 : i32 to vector<2048x4xi32>
    %select_n3A_35 = arith.select %ge3A_32, %iota3A, %broadcast_in_dim3A_34 : vector<2048x4xi1>, vector<2048x4xi32>
    %reduce_min3A_36 = arith.constant dense<2147483647> : vector<4xi32>
    %reduce_min3A_37 = vector.multi_reduction <minsi>, %select_n3A_35, %reduce_min3A_36 [0] : vector<2048x4xi32> to vector<4xi32>
    %broadcast_in_dim3A_38 = vector.shape_cast %reduce_min3A_37 : vector<4xi32> to vector<1x4xi32>
    %eq3A_39 = arith.constant 1 : i32
    %eq3A_40 = vector.broadcast %eq3A_39 : i32 to vector<8x4xi32>
    %eq3A_41 = arith.cmpi eq, %iota3A_2, %eq3A_40 : vector<8x4xi32>
    %broadcast_in_dim3A_42 = vector.shape_cast %broadcast_in_dim3A_38 : vector<1x4xi32> to vector<1x4xi32>
    %broadcast_in_dim3A_43 = vector.broadcast %broadcast_in_dim3A_42 : vector<1x4xi32> to vector<8x4xi32>
    %select_n3A_44 = arith.select %eq3A_41, %broadcast_in_dim3A_43, %select_n3A_16 : vector<8x4xi1>, vector<8x4xi32>
    %eq3A_45 = arith.constant 1 : i32
    %eq3A_46 = vector.broadcast %eq3A_45 : i32 to vector<8x4xi32>
    %eq3A_47 = arith.cmpi eq, %iota3A_2, %eq3A_46 : vector<8x4xi32>
    %broadcast_in_dim3A_48 = vector.shape_cast %broadcast_in_dim3A_30 : vector<1x4xf32> to vector<1x4xf32>
    %broadcast_in_dim3A_49 = vector.broadcast %broadcast_in_dim3A_48 : vector<1x4xf32> to vector<8x4xf32>
    %select_n3A_50 = arith.select %eq3A_47, %broadcast_in_dim3A_49, %select_n3A_22 : vector<8x4xi1>, vector<8x4xf32>
    %eq3A_51 = vector.broadcast %broadcast_in_dim3A_38 : vector<1x4xi32> to vector<2048x4xi32>
    %eq3A_52 = arith.cmpi eq, %iota3A, %eq3A_51 : vector<2048x4xi32>
    %jit3A_53 = arith.constant 0xFF800000 : f32
    %broadcast_in_dim3A_54 = vector.broadcast %jit3A_53 : f32 to vector<2048x4xf32>
    %select_n3A_55 = arith.select %eq3A_52, %broadcast_in_dim3A_54, %select_n3A_27 : vector<2048x4xi1>, vector<2048x4xf32>
    %reduce_max3A_56 = arith.constant dense<0xFF800000> : vector<4xf32>
    %reduce_max3A_57 = vector.multi_reduction <maximumf>, %select_n3A_55, %reduce_max3A_56 [0] : vector<2048x4xf32> to vector<4xf32>
    %broadcast_in_dim3A_58 = vector.shape_cast %reduce_max3A_57 : vector<4xf32> to vector<1x4xf32>
    %ge3A_59 = vector.broadcast %broadcast_in_dim3A_58 : vector<1x4xf32> to vector<2048x4xf32>
    %ge3A_60 = arith.cmpf oge, %select_n3A_55, %ge3A_59 : vector<2048x4xf32>
    %jit3A_61 = arith.constant 2048 : i32
    %broadcast_in_dim3A_62 = vector.broadcast %jit3A_61 : i32 to vector<2048x4xi32>
    %select_n3A_63 = arith.select %ge3A_60, %iota3A, %broadcast_in_dim3A_62 : vector<2048x4xi1>, vector<2048x4xi32>
    %reduce_min3A_64 = arith.constant dense<2147483647> : vector<4xi32>
    %reduce_min3A_65 = vector.multi_reduction <minsi>, %select_n3A_63, %reduce_min3A_64 [0] : vector<2048x4xi32> to vector<4xi32>
    %broadcast_in_dim3A_66 = vector.shape_cast %reduce_min3A_65 : vector<4xi32> to vector<1x4xi32>
    %eq3A_67 = arith.constant 2 : i32
    %eq3A_68 = vector.broadcast %eq3A_67 : i32 to vector<8x4xi32>
    %eq3A_69 = arith.cmpi eq, %iota3A_2, %eq3A_68 : vector<8x4xi32>
    %broadcast_in_dim3A_70 = vector.shape_cast %broadcast_in_dim3A_66 : vector<1x4xi32> to vector<1x4xi32>
    %broadcast_in_dim3A_71 = vector.broadcast %broadcast_in_dim3A_70 : vector<1x4xi32> to vector<8x4xi32>
    %select_n3A_72 = arith.select %eq3A_69, %broadcast_in_dim3A_71, %select_n3A_44 : vector<8x4xi1>, vector<8x4xi32>
    %eq3A_73 = arith.constant 2 : i32
    %eq3A_74 = vector.broadcast %eq3A_73 : i32 to vector<8x4xi32>
    %eq3A_75 = arith.cmpi eq, %iota3A_2, %eq3A_74 : vector<8x4xi32>
    %broadcast_in_dim3A_76 = vector.shape_cast %broadcast_in_dim3A_58 : vector<1x4xf32> to vector<1x4xf32>
    %broadcast_in_dim3A_77 = vector.broadcast %broadcast_in_dim3A_76 : vector<1x4xf32> to vector<8x4xf32>
    %select_n3A_78 = arith.select %eq3A_75, %broadcast_in_dim3A_77, %select_n3A_50 : vector<8x4xi1>, vector<8x4xf32>
    %eq3A_79 = vector.broadcast %broadcast_in_dim3A_66 : vector<1x4xi32> to vector<2048x4xi32>
    %eq3A_80 = arith.cmpi eq, %iota3A, %eq3A_79 : vector<2048x4xi32>
    %jit3A_81 = arith.constant 0xFF800000 : f32
    %broadcast_in_dim3A_82 = vector.broadcast %jit3A_81 : f32 to vector<2048x4xf32>
    %select_n3A_83 = arith.select %eq3A_80, %broadcast_in_dim3A_82, %select_n3A_55 : vector<2048x4xi1>, vector<2048x4xf32>
    %reduce_max3A_84 = arith.constant dense<0xFF800000> : vector<4xf32>
    %reduce_max3A_85 = vector.multi_reduction <maximumf>, %select_n3A_83, %reduce_max3A_84 [0] : vector<2048x4xf32> to vector<4xf32>
    %broadcast_in_dim3A_86 = vector.shape_cast %reduce_max3A_85 : vector<4xf32> to vector<1x4xf32>
    %ge3A_87 = vector.broadcast %broadcast_in_dim3A_86 : vector<1x4xf32> to vector<2048x4xf32>
    %ge3A_88 = arith.cmpf oge, %select_n3A_83, %ge3A_87 : vector<2048x4xf32>
    %jit3A_89 = arith.constant 2048 : i32
    %broadcast_in_dim3A_90 = vector.broadcast %jit3A_89 : i32 to vector<2048x4xi32>
    %select_n3A_91 = arith.select %ge3A_88, %iota3A, %broadcast_in_dim3A_90 : vector<2048x4xi1>, vector<2048x4xi32>
    %reduce_min3A_92 = arith.constant dense<2147483647> : vector<4xi32>
    %reduce_min3A_93 = vector.multi_reduction <minsi>, %select_n3A_91, %reduce_min3A_92 [0] : vector<2048x4xi32> to vector<4xi32>
    %broadcast_in_dim3A_94 = vector.shape_cast %reduce_min3A_93 : vector<4xi32> to vector<1x4xi32>
    %eq3A_95 = arith.constant 3 : i32
    %eq3A_96 = vector.broadcast %eq3A_95 : i32 to vector<8x4xi32>
    %eq3A_97 = arith.cmpi eq, %iota3A_2, %eq3A_96 : vector<8x4xi32>
    %broadcast_in_dim3A_98 = vector.shape_cast %broadcast_in_dim3A_94 : vector<1x4xi32> to vector<1x4xi32>
    %broadcast_in_dim3A_99 = vector.broadcast %broadcast_in_dim3A_98 : vector<1x4xi32> to vector<8x4xi32>
    %select_n3A_100 = arith.select %eq3A_97, %broadcast_in_dim3A_99, %select_n3A_72 : vector<8x4xi1>, vector<8x4xi32>
    %eq3A_101 = arith.constant 3 : i32
    %eq3A_102 = vector.broadcast %eq3A_101 : i32 to vector<8x4xi32>
    %eq3A_103 = arith.cmpi eq, %iota3A_2, %eq3A_102 : vector<8x4xi32>
    %broadcast_in_dim3A_104 = vector.shape_cast %broadcast_in_dim3A_86 : vector<1x4xf32> to vector<1x4xf32>
    %broadcast_in_dim3A_105 = vector.broadcast %broadcast_in_dim3A_104 : vector<1x4xf32> to vector<8x4xf32>
    %select_n3A_106 = arith.select %eq3A_103, %broadcast_in_dim3A_105, %select_n3A_78 : vector<8x4xi1>, vector<8x4xf32>
    %eq3A_107 = vector.broadcast %broadcast_in_dim3A_94 : vector<1x4xi32> to vector<2048x4xi32>
    %eq3A_108 = arith.cmpi eq, %iota3A, %eq3A_107 : vector<2048x4xi32>
    %jit3A_109 = arith.constant 0xFF800000 : f32
    %broadcast_in_dim3A_110 = vector.broadcast %jit3A_109 : f32 to vector<2048x4xf32>
    %select_n3A_111 = arith.select %eq3A_108, %broadcast_in_dim3A_110, %select_n3A_83 : vector<2048x4xi1>, vector<2048x4xf32>
    %reduce_max3A_112 = arith.constant dense<0xFF800000> : vector<4xf32>
    %reduce_max3A_113 = vector.multi_reduction <maximumf>, %select_n3A_111, %reduce_max3A_112 [0] : vector<2048x4xf32> to vector<4xf32>
    %broadcast_in_dim3A_114 = vector.shape_cast %reduce_max3A_113 : vector<4xf32> to vector<1x4xf32>
    %ge3A_115 = vector.broadcast %broadcast_in_dim3A_114 : vector<1x4xf32> to vector<2048x4xf32>
    %ge3A_116 = arith.cmpf oge, %select_n3A_111, %ge3A_115 : vector<2048x4xf32>
    %jit3A_117 = arith.constant 2048 : i32
    %broadcast_in_dim3A_118 = vector.broadcast %jit3A_117 : i32 to vector<2048x4xi32>
    %select_n3A_119 = arith.select %ge3A_116, %iota3A, %broadcast_in_dim3A_118 : vector<2048x4xi1>, vector<2048x4xi32>
    %reduce_min3A_120 = arith.constant dense<2147483647> : vector<4xi32>
    %reduce_min3A_121 = vector.multi_reduction <minsi>, %select_n3A_119, %reduce_min3A_120 [0] : vector<2048x4xi32> to vector<4xi32>
    %broadcast_in_dim3A_122 = vector.shape_cast %reduce_min3A_121 : vector<4xi32> to vector<1x4xi32>
    %eq3A_123 = arith.constant 4 : i32
    %eq3A_124 = vector.broadcast %eq3A_123 : i32 to vector<8x4xi32>
    %eq3A_125 = arith.cmpi eq, %iota3A_2, %eq3A_124 : vector<8x4xi32>
    %broadcast_in_dim3A_126 = vector.shape_cast %broadcast_in_dim3A_122 : vector<1x4xi32> to vector<1x4xi32>
    %broadcast_in_dim3A_127 = vector.broadcast %broadcast_in_dim3A_126 : vector<1x4xi32> to vector<8x4xi32>
    %select_n3A_128 = arith.select %eq3A_125, %broadcast_in_dim3A_127, %select_n3A_100 : vector<8x4xi1>, vector<8x4xi32>
    %eq3A_129 = arith.constant 4 : i32
    %eq3A_130 = vector.broadcast %eq3A_129 : i32 to vector<8x4xi32>
    %eq3A_131 = arith.cmpi eq, %iota3A_2, %eq3A_130 : vector<8x4xi32>
    %broadcast_in_dim3A_132 = vector.shape_cast %broadcast_in_dim3A_114 : vector<1x4xf32> to vector<1x4xf32>
    %broadcast_in_dim3A_133 = vector.broadcast %broadcast_in_dim3A_132 : vector<1x4xf32> to vector<8x4xf32>
    %select_n3A_134 = arith.select %eq3A_131, %broadcast_in_dim3A_133, %select_n3A_106 : vector<8x4xi1>, vector<8x4xf32>
    %eq3A_135 = vector.broadcast %broadcast_in_dim3A_122 : vector<1x4xi32> to vector<2048x4xi32>
    %eq3A_136 = arith.cmpi eq, %iota3A, %eq3A_135 : vector<2048x4xi32>
    %jit3A_137 = arith.constant 0xFF800000 : f32
    %broadcast_in_dim3A_138 = vector.broadcast %jit3A_137 : f32 to vector<2048x4xf32>
    %select_n3A_139 = arith.select %eq3A_136, %broadcast_in_dim3A_138, %select_n3A_111 : vector<2048x4xi1>, vector<2048x4xf32>
    %reduce_max3A_140 = arith.constant dense<0xFF800000> : vector<4xf32>
    %reduce_max3A_141 = vector.multi_reduction <maximumf>, %select_n3A_139, %reduce_max3A_140 [0] : vector<2048x4xf32> to vector<4xf32>
    %broadcast_in_dim3A_142 = vector.shape_cast %reduce_max3A_141 : vector<4xf32> to vector<1x4xf32>
    %ge3A_143 = vector.broadcast %broadcast_in_dim3A_142 : vector<1x4xf32> to vector<2048x4xf32>
    %ge3A_144 = arith.cmpf oge, %select_n3A_139, %ge3A_143 : vector<2048x4xf32>
    %jit3A_145 = arith.constant 2048 : i32
    %broadcast_in_dim3A_146 = vector.broadcast %jit3A_145 : i32 to vector<2048x4xi32>
    %select_n3A_147 = arith.select %ge3A_144, %iota3A, %broadcast_in_dim3A_146 : vector<2048x4xi1>, vector<2048x4xi32>
    %reduce_min3A_148 = arith.constant dense<2147483647> : vector<4xi32>
    %reduce_min3A_149 = vector.multi_reduction <minsi>, %select_n3A_147, %reduce_min3A_148 [0] : vector<2048x4xi32> to vector<4xi32>
    %broadcast_in_dim3A_150 = vector.shape_cast %reduce_min3A_149 : vector<4xi32> to vector<1x4xi32>
    %eq3A_151 = arith.constant 5 : i32
    %eq3A_152 = vector.broadcast %eq3A_151 : i32 to vector<8x4xi32>
    %eq3A_153 = arith.cmpi eq, %iota3A_2, %eq3A_152 : vector<8x4xi32>
    %broadcast_in_dim3A_154 = vector.shape_cast %broadcast_in_dim3A_150 : vector<1x4xi32> to vector<1x4xi32>
    %broadcast_in_dim3A_155 = vector.broadcast %broadcast_in_dim3A_154 : vector<1x4xi32> to vector<8x4xi32>
    %select_n3A_156 = arith.select %eq3A_153, %broadcast_in_dim3A_155, %select_n3A_128 : vector<8x4xi1>, vector<8x4xi32>
    %eq3A_157 = arith.constant 5 : i32
    %eq3A_158 = vector.broadcast %eq3A_157 : i32 to vector<8x4xi32>
    %eq3A_159 = arith.cmpi eq, %iota3A_2, %eq3A_158 : vector<8x4xi32>
    %broadcast_in_dim3A_160 = vector.shape_cast %broadcast_in_dim3A_142 : vector<1x4xf32> to vector<1x4xf32>
    %broadcast_in_dim3A_161 = vector.broadcast %broadcast_in_dim3A_160 : vector<1x4xf32> to vector<8x4xf32>
    %select_n3A_162 = arith.select %eq3A_159, %broadcast_in_dim3A_161, %select_n3A_134 : vector<8x4xi1>, vector<8x4xf32>
    %eq3A_163 = vector.broadcast %broadcast_in_dim3A_150 : vector<1x4xi32> to vector<2048x4xi32>
    %eq3A_164 = arith.cmpi eq, %iota3A, %eq3A_163 : vector<2048x4xi32>
    %jit3A_165 = arith.constant 0xFF800000 : f32
    %broadcast_in_dim3A_166 = vector.broadcast %jit3A_165 : f32 to vector<2048x4xf32>
    %select_n3A_167 = arith.select %eq3A_164, %broadcast_in_dim3A_166, %select_n3A_139 : vector<2048x4xi1>, vector<2048x4xf32>
    %reduce_max3A_168 = arith.constant dense<0xFF800000> : vector<4xf32>
    %reduce_max3A_169 = vector.multi_reduction <maximumf>, %select_n3A_167, %reduce_max3A_168 [0] : vector<2048x4xf32> to vector<4xf32>
    %broadcast_in_dim3A_170 = vector.shape_cast %reduce_max3A_169 : vector<4xf32> to vector<1x4xf32>
    %ge3A_171 = vector.broadcast %broadcast_in_dim3A_170 : vector<1x4xf32> to vector<2048x4xf32>
    %ge3A_172 = arith.cmpf oge, %select_n3A_167, %ge3A_171 : vector<2048x4xf32>
    %jit3A_173 = arith.constant 2048 : i32
    %broadcast_in_dim3A_174 = vector.broadcast %jit3A_173 : i32 to vector<2048x4xi32>
    %select_n3A_175 = arith.select %ge3A_172, %iota3A, %broadcast_in_dim3A_174 : vector<2048x4xi1>, vector<2048x4xi32>
    %reduce_min3A_176 = arith.constant dense<2147483647> : vector<4xi32>
    %reduce_min3A_177 = vector.multi_reduction <minsi>, %select_n3A_175, %reduce_min3A_176 [0] : vector<2048x4xi32> to vector<4xi32>
    %broadcast_in_dim3A_178 = vector.shape_cast %reduce_min3A_177 : vector<4xi32> to vector<1x4xi32>
    %eq3A_179 = arith.constant 6 : i32
    %eq3A_180 = vector.broadcast %eq3A_179 : i32 to vector<8x4xi32>
    %eq3A_181 = arith.cmpi eq, %iota3A_2, %eq3A_180 : vector<8x4xi32>
    %broadcast_in_dim3A_182 = vector.shape_cast %broadcast_in_dim3A_178 : vector<1x4xi32> to vector<1x4xi32>
    %broadcast_in_dim3A_183 = vector.broadcast %broadcast_in_dim3A_182 : vector<1x4xi32> to vector<8x4xi32>
    %select_n3A_184 = arith.select %eq3A_181, %broadcast_in_dim3A_183, %select_n3A_156 : vector<8x4xi1>, vector<8x4xi32>
    %eq3A_185 = arith.constant 6 : i32
    %eq3A_186 = vector.broadcast %eq3A_185 : i32 to vector<8x4xi32>
    %eq3A_187 = arith.cmpi eq, %iota3A_2, %eq3A_186 : vector<8x4xi32>
    %broadcast_in_dim3A_188 = vector.shape_cast %broadcast_in_dim3A_170 : vector<1x4xf32> to vector<1x4xf32>
    %broadcast_in_dim3A_189 = vector.broadcast %broadcast_in_dim3A_188 : vector<1x4xf32> to vector<8x4xf32>
    %select_n3A_190 = arith.select %eq3A_187, %broadcast_in_dim3A_189, %select_n3A_162 : vector<8x4xi1>, vector<8x4xf32>
    %sub3A = vector.broadcast %broadcast_in_dim3A_7 : vector<1x4xf32> to vector<8x4xf32>
    %sub3A_191 = arith.subf %select_n3A_190, %sub3A : vector<8x4xf32>
    %exp3A = math.exp %sub3A_191 : vector<8x4xf32>
    %reduce_sum3A = arith.constant dense<0.000000e+00> : vector<4xf32>
    %reduce_sum3A_192 = vector.multi_reduction <add>, %exp3A, %reduce_sum3A [0] : vector<8x4xf32> to vector<4xf32>
    %broadcast_in_dim3A_193 = vector.shape_cast %reduce_sum3A_192 : vector<4xf32> to vector<1x4xf32>
    %div3A = vector.broadcast %broadcast_in_dim3A_193 : vector<1x4xf32> to vector<8x4xf32>
    %div3A_194 = arith.divf %exp3A, %div3A : vector<8x4xf32>
    %swap3A = arith.constant 0 : index
    %swap3A_195 = arith.constant 0 : index
    %swap3A_196 = vector.load %arg1[%swap3A, %swap3A_195] : memref<8x4xi32, #tpu.memory_space<vmem>>, vector<8x4xi32>
    tpu.vector_store %arg1[%swap3A, %swap3A_195], %select_n3A_184 {strides = array<i32>} : memref<8x4xi32, #tpu.memory_space<vmem>>, vector<8x4xi32>,
    %swap3A_197 = arith.constant 0 : index
    %swap3A_198 = arith.constant 0 : index
    %swap3A_199 = vector.load %arg2[%swap3A_197, %swap3A_198] : memref<8x4xf32, #tpu.memory_space<vmem>>, vector<8x4xf32>
    tpu.vector_store %arg2[%swap3A_197, %swap3A_198], %div3A_194 {strides = array<i32>} : memref<8x4xf32, #tpu.memory_space<vmem>>, vector<8x4xf32>,
    return
  }
}

module attributes {stable_mosaic.version = 14 : i64} {
  func.func @_stage3_body(%arg0: i32, %arg1: i32, %arg2: memref<8x4xi32, #tpu.memory_space<smem>>, %arg3: memref<8x4xf32, #tpu.memory_space<smem>>, %arg4: memref<1x1x2048x64xf32, #tpu.memory_space<vmem>>, %arg5: memref<1x1x2048x64xf32, #tpu.memory_space<vmem>>, %arg6: memref<4096x64xf32, #tpu.memory_space<vmem>>) attributes {dimension_semantics = [#tpu.dimension_semantics<arbitrary>, #tpu.dimension_semantics<arbitrary>], iteration_bounds = array<i64: 4, 16>, scalar_prefetch = 0 : i64, scratch_operands = 1 : i64, tpu.core_type = #tpu.core_type<tc>, window_params = [{transform_indices = @transform_0, window_bounds = array<i64: 8, 4>}, {transform_indices = @transform_1, window_bounds = array<i64: 8, 4>}, {transform_indices = @transform_2, window_bounds = array<i64: 1, 1, 2048, 64>}, {transform_indices = @transform_3, window_bounds = array<i64: 1, 1, 2048, 64>}]} {
    %get3A = arith.constant 0 : index
    %get3A_0 = arith.constant 0 : index
    %get3A_1 = arith.constant 0 : index
    %get3A_2 = arith.constant 0 : index
    %get3A_3 = vector.load %arg4[%get3A, %get3A_0, %get3A_1, %get3A_2] : memref<1x1x2048x64xf32, #tpu.memory_space<vmem>>, vector<1x1x2048x64xf32>
    %get3A_4 = vector.shape_cast %get3A_3 : vector<1x1x2048x64xf32> to vector<2048x64xf32>
    %swap3A = arith.constant 0 : index
    %swap3A_5 = arith.constant 0 : index
    %swap3A_6 = vector.load %arg6[%swap3A, %swap3A_5] : memref<4096x64xf32, #tpu.memory_space<vmem>>, vector<2048x64xf32>
    tpu.vector_store %arg6[%swap3A, %swap3A_5], %get3A_4 {strides = array<i32>} : memref<4096x64xf32, #tpu.memory_space<vmem>>, vector<2048x64xf32>,
    %swap3A_7 = arith.constant 2048 : index
    %swap3A_8 = arith.constant 0 : index
    %swap3A_9 = vector.load %arg6[%swap3A_7, %swap3A_8] : memref<4096x64xf32, #tpu.memory_space<vmem>>, vector<2048x64xf32>
    tpu.vector_store %arg6[%swap3A_7, %swap3A_8], %get3A_4 {strides = array<i32>} : memref<4096x64xf32, #tpu.memory_space<vmem>>, vector<2048x64xf32>,
    %broadcast_in_dim3A = arith.constant 0.000000e+00 : f32
    %broadcast_in_dim3A_10 = vector.broadcast %broadcast_in_dim3A : f32 to vector<2048x64xf32>
    %get3A_11 = arith.constant 0 : index
    %get3A_12 = arith.index_cast %arg0 : i32 to index
    %get3A_13 = memref.load %arg2[%get3A_11, %get3A_12] : memref<8x4xi32, #tpu.memory_space<smem>>
    %get3A_14 = arith.constant 0 : index
    %get3A_15 = arith.index_cast %arg0 : i32 to index
    %get3A_16 = memref.load %arg3[%get3A_14, %get3A_15] : memref<8x4xf32, #tpu.memory_space<smem>>
    %get3A_17 = arith.index_cast %get3A_13 : i32 to index
    %get3A_18 = arith.constant 0 : index
    %get3A_19 = vector.load %arg6[%get3A_17, %get3A_18] : memref<4096x64xf32, #tpu.memory_space<vmem>>, vector<2048x64xf32>
    %mul3A = vector.broadcast %get3A_16 : f32 to vector<2048x64xf32>
    %mul3A_20 = arith.mulf %mul3A, %get3A_19 : vector<2048x64xf32>
    %add3A = arith.addf %broadcast_in_dim3A_10, %mul3A_20 : vector<2048x64xf32>
    %get3A_21 = arith.constant 1 : index
    %get3A_22 = arith.index_cast %arg0 : i32 to index
    %get3A_23 = memref.load %arg2[%get3A_21, %get3A_22] : memref<8x4xi32, #tpu.memory_space<smem>>
    %get3A_24 = arith.constant 1 : index
    %get3A_25 = arith.index_cast %arg0 : i32 to index
    %get3A_26 = memref.load %arg3[%get3A_24, %get3A_25] : memref<8x4xf32, #tpu.memory_space<smem>>
    %get3A_27 = arith.index_cast %get3A_23 : i32 to index
    %get3A_28 = arith.constant 0 : index
    %get3A_29 = vector.load %arg6[%get3A_27, %get3A_28] : memref<4096x64xf32, #tpu.memory_space<vmem>>, vector<2048x64xf32>
    %mul3A_30 = vector.broadcast %get3A_26 : f32 to vector<2048x64xf32>
    %mul3A_31 = arith.mulf %mul3A_30, %get3A_29 : vector<2048x64xf32>
    %add3A_32 = arith.addf %add3A, %mul3A_31 : vector<2048x64xf32>
    %get3A_33 = arith.constant 2 : index
    %get3A_34 = arith.index_cast %arg0 : i32 to index
    %get3A_35 = memref.load %arg2[%get3A_33, %get3A_34] : memref<8x4xi32, #tpu.memory_space<smem>>
    %get3A_36 = arith.constant 2 : index
    %get3A_37 = arith.index_cast %arg0 : i32 to index
    %get3A_38 = memref.load %arg3[%get3A_36, %get3A_37] : memref<8x4xf32, #tpu.memory_space<smem>>
    %get3A_39 = arith.index_cast %get3A_35 : i32 to index
    %get3A_40 = arith.constant 0 : index
    %get3A_41 = vector.load %arg6[%get3A_39, %get3A_40] : memref<4096x64xf32, #tpu.memory_space<vmem>>, vector<2048x64xf32>
    %mul3A_42 = vector.broadcast %get3A_38 : f32 to vector<2048x64xf32>
    %mul3A_43 = arith.mulf %mul3A_42, %get3A_41 : vector<2048x64xf32>
    %add3A_44 = arith.addf %add3A_32, %mul3A_43 : vector<2048x64xf32>
    %get3A_45 = arith.constant 3 : index
    %get3A_46 = arith.index_cast %arg0 : i32 to index
    %get3A_47 = memref.load %arg2[%get3A_45, %get3A_46] : memref<8x4xi32, #tpu.memory_space<smem>>
    %get3A_48 = arith.constant 3 : index
    %get3A_49 = arith.index_cast %arg0 : i32 to index
    %get3A_50 = memref.load %arg3[%get3A_48, %get3A_49] : memref<8x4xf32, #tpu.memory_space<smem>>
    %get3A_51 = arith.index_cast %get3A_47 : i32 to index
    %get3A_52 = arith.constant 0 : index
    %get3A_53 = vector.load %arg6[%get3A_51, %get3A_52] : memref<4096x64xf32, #tpu.memory_space<vmem>>, vector<2048x64xf32>
    %mul3A_54 = vector.broadcast %get3A_50 : f32 to vector<2048x64xf32>
    %mul3A_55 = arith.mulf %mul3A_54, %get3A_53 : vector<2048x64xf32>
    %add3A_56 = arith.addf %add3A_44, %mul3A_55 : vector<2048x64xf32>
    %get3A_57 = arith.constant 4 : index
    %get3A_58 = arith.index_cast %arg0 : i32 to index
    %get3A_59 = memref.load %arg2[%get3A_57, %get3A_58] : memref<8x4xi32, #tpu.memory_space<smem>>
    %get3A_60 = arith.constant 4 : index
    %get3A_61 = arith.index_cast %arg0 : i32 to index
    %get3A_62 = memref.load %arg3[%get3A_60, %get3A_61] : memref<8x4xf32, #tpu.memory_space<smem>>
    %get3A_63 = arith.index_cast %get3A_59 : i32 to index
    %get3A_64 = arith.constant 0 : index
    %get3A_65 = vector.load %arg6[%get3A_63, %get3A_64] : memref<4096x64xf32, #tpu.memory_space<vmem>>, vector<2048x64xf32>
    %mul3A_66 = vector.broadcast %get3A_62 : f32 to vector<2048x64xf32>
    %mul3A_67 = arith.mulf %mul3A_66, %get3A_65 : vector<2048x64xf32>
    %add3A_68 = arith.addf %add3A_56, %mul3A_67 : vector<2048x64xf32>
    %get3A_69 = arith.constant 5 : index
    %get3A_70 = arith.index_cast %arg0 : i32 to index
    %get3A_71 = memref.load %arg2[%get3A_69, %get3A_70] : memref<8x4xi32, #tpu.memory_space<smem>>
    %get3A_72 = arith.constant 5 : index
    %get3A_73 = arith.index_cast %arg0 : i32 to index
    %get3A_74 = memref.load %arg3[%get3A_72, %get3A_73] : memref<8x4xf32, #tpu.memory_space<smem>>
    %get3A_75 = arith.index_cast %get3A_71 : i32 to index
    %get3A_76 = arith.constant 0 : index
    %get3A_77 = vector.load %arg6[%get3A_75, %get3A_76] : memref<4096x64xf32, #tpu.memory_space<vmem>>, vector<2048x64xf32>
    %mul3A_78 = vector.broadcast %get3A_74 : f32 to vector<2048x64xf32>
    %mul3A_79 = arith.mulf %mul3A_78, %get3A_77 : vector<2048x64xf32>
    %add3A_80 = arith.addf %add3A_68, %mul3A_79 : vector<2048x64xf32>
    %get3A_81 = arith.constant 6 : index
    %get3A_82 = arith.index_cast %arg0 : i32 to index
    %get3A_83 = memref.load %arg2[%get3A_81, %get3A_82] : memref<8x4xi32, #tpu.memory_space<smem>>
    %get3A_84 = arith.constant 6 : index
    %get3A_85 = arith.index_cast %arg0 : i32 to index
    %get3A_86 = memref.load %arg3[%get3A_84, %get3A_85] : memref<8x4xf32, #tpu.memory_space<smem>>
    %get3A_87 = arith.index_cast %get3A_83 : i32 to index
    %get3A_88 = arith.constant 0 : index
    %get3A_89 = vector.load %arg6[%get3A_87, %get3A_88] : memref<4096x64xf32, #tpu.memory_space<vmem>>, vector<2048x64xf32>
    %mul3A_90 = vector.broadcast %get3A_86 : f32 to vector<2048x64xf32>
    %mul3A_91 = arith.mulf %mul3A_90, %get3A_89 : vector<2048x64xf32>
    %add3A_92 = arith.addf %add3A_80, %mul3A_91 : vector<2048x64xf32>
    %swap3A_93 = arith.constant 0 : index
    %swap3A_94 = arith.constant 0 : index
    %swap3A_95 = arith.constant 0 : index
    %swap3A_96 = arith.constant 0 : index
    %swap3A_97 = vector.load %arg5[%swap3A_93, %swap3A_94, %swap3A_95, %swap3A_96] : memref<1x1x2048x64xf32, #tpu.memory_space<vmem>>, vector<1x1x2048x64xf32>
    %swap3A_98 = vector.shape_cast %swap3A_97 : vector<1x1x2048x64xf32> to vector<2048x64xf32>
    %swap3A_99 = vector.shape_cast %add3A_92 : vector<2048x64xf32> to vector<1x1x2048x64xf32>
    tpu.vector_store %arg5[%swap3A_93, %swap3A_94, %swap3A_95, %swap3A_96], %swap3A_99 {strides = array<i32>} : memref<1x1x2048x64xf32, #tpu.memory_space<vmem>>, vector<1x1x2048x64xf32>,
    return
  }
  func.func @transform_0(%arg0: i32, %arg1: i32) -> (i32, i32) {
    %c0_i32 = arith.constant 0 : i32
    %c0_i32_0 = arith.constant 0 : i32
    %c0_i32_1 = arith.constant 0 : i32
    return %c0_i32, %c0_i32_0 : i32, i32
  }
  func.func @transform_1(%arg0: i32, %arg1: i32) -> (i32, i32) {
    %c0_i32 = arith.constant 0 : i32
    %c0_i32_0 = arith.constant 0 : i32
    %c0_i32_1 = arith.constant 0 : i32
    return %c0_i32, %c0_i32_0 : i32, i32
  }
  func.func @transform_2(%arg0: i32, %arg1: i32) -> (i32, i32, i32, i32) {
    %c0_i32 = arith.constant 0 : i32
    %c0_i32_0 = arith.constant 0 : i32
    %c0_i32_1 = arith.constant 0 : i32
    return %arg0, %arg1, %c0_i32, %c0_i32_0 : i32, i32, i32, i32
  }
  func.func @transform_3(%arg0: i32, %arg1: i32) -> (i32, i32, i32, i32) {
    %c0_i32 = arith.constant 0 : i32
    %c0_i32_0 = arith.constant 0 : i32
    %c0_i32_1 = arith.constant 0 : i32
    return %arg0, %arg1, %c0_i32, %c0_i32_0 : i32, i32, i32, i32
  }
}

</mosaic_0001>

<sc_bundles>
// kernel: sparse-core-data-format-call.1.cloned.1.call-start
scs
called_computation.1_lowered:
.L_overlay_start_0:
0x0: {  	s2 =	sld [smem:$0x3FD9]  }
0x1: {  	s3 =	sld [smem:$0x3FFE];
	_ =	sdelay $0x1  }
0x2: {  	s1 =	srdreg.scid  }
0x3: {  	s0 =	sand.u32 $0x1, s1  }
0x4: {  	s18 =	sshll.u32 s0, $0xA;
	s2 =	sadd.s32 s3, s2  }
0x5: {  	s2 =	sadd.s32 s2, s18  }
0x6: {  	[smem:$0x3FC1] =	sst s2  }
0x7: {  	_ = 	snop  }
0x8: {  	s2 =	sld [smem:$0x3FC8];
	(tm) =	ssettm $0x1  }
0x9: {  	s19 =	sld [smem:$0x3FFB];
	_ =	sdelay $0x3  }
0xa: {  	_ =	strace s19  }
0xb: {  	s3 =	sld [smem:$0x3FFC];
	_ =	sdelay $0x3  }
0xc: {  	_ =	strace s3  }
0xd: {  	s3 =	sld [smem:$0x3FFD];
	_ =	sdelay $0x3  }
0xe: {  	_ =	strace s3  }
0xf: {  	_ =	strace $0x8FFFFFFF  }
0x10: {  	s20 =	sld [smem:$0x3FDB];
	_ =	sdelay $0x1  }
0x11: {  	s4 =	simm.s32 $_scs_section_size  }
0x12: {  	s5 =	simm.s32 $_size__tile_overlayer_lowered;
	s6 =	simm.s32 $_tile_overlayer_lowered  }
0x13: {  	s23 =	simm.s32 $0x1BFF;
	s22 =	sshll.u32 s6, $0x1;
	s3 =	sadd.s32 s4, s20  }
0x14: {  	s7 =	simm.s32 $0x0;
	s21 =	sshll.u32 s5, $0x1;
	s5 =	sadd.s32 s22, s3  }
0x15: {  	[timem:s7], [sflag:s23] =	dma.local [hbm:s5], s21  }
0x16: {  	_ =	swait.ge [sflag:s23], s21  }
0x17: {  	s4 =	ssub.s32 $0x0, s21;
	[sflag:s23] =	ssyncset.done $0x0  }
0x18: {  	[sflag:s23] =	ssyncadd.s32 s4;
	_ =	sdelay $0x1  }
0x19: {  	s24 =	simm.s32 $0x1B8B  }
0x1a: {  	_ =	swait.ge [sflag:s24], $0x1  }
0x1b: {  	[sflag:s24] =	ssyncset.done $0x0  }
0x1c: {  	s26 =	simm.s32 $0x1B8E;
	s25 =	sld [smem:$0x3FFE];
	[sflag:s24] =	ssyncadd.s32 $0xFFFFFFFF  }
0x1d: {  	s27 =	simm.s32 $execute0_lowered;
	[smem:$0x3FD2] =	sst s26  }
0x1e: {  	s5 =	sshll.u32 s27, $0x1;
	_ =	strace $0x80000046;
	[dreg:$0x1] =	wrdreg $0xFFFFFFFF  }
0x1f: {  	s28 =	simm.s32 $_size_execute0_lowered;
	s3 =	sadd.s32 s3, s5;
	[dreg:$0x0] =	wrdreg $0x0  }
0x20: {  	s5 =	sshll.u32 s28, $0x1;
	[dreg:$0x2] =	wrdreg s3  }
0x21: {  	[dreg:$0x3] =	wrdreg s5  }
0x22: {  	[dreg:$0x4] =	wrdreg $0xC0  }
0x23: {  	_ =	task [dreg:s7], $0x5FFFF  }
0x24: {  	[dreg:$0x1] =	wrdreg $0xFFFFFFFF  }
0x25: {  	[dreg:$0x0] =	wrdreg $0x60  }
0x26: {  	[dreg:$0x2] =	wrdreg s2  }
0x27: {  	[dreg:$0x3] =	wrdreg s25  }
0x28: {  	[dreg:$0x4] =	wrdreg $0xA  }
0x29: {  	_ =	task.clear_ibuf [dreg:s7], $0x5FFFF;
	_ =	strace $0x90000046  }
0x2a: {  	s29 =	simm.s32 $0xA;
	_ =	strace $0x80000048  }
0x2b: {  	_ =	swait.ge [sflag:s29], $0x1  }
0x2c: {  	[sflag:s29] =	ssyncadd.s32 $0xFFFFFFFF  }
0x2d: {  	_ =	strace $0x90000048  }
0x2e: {  	_ =	sfence  }
0x2f: {  	s30 =	sld [smem:$0x0];
	_ =	sdelay $0x2  }
0x30: {  	s31 =	sshll.u32 s1, $0xD;
	s1 =	sshrl.u32 s1, $0x2  }
0x31: {  	s3 =	sand.u32 $0x4000, s31;
	s1 =	sadd.s32 s1, s30  }
0x32: {  	s0 =	sor.u32 s3, s0;
	s1 =	sshll.u32 s1, $0x11  }
0x33: {  	s0 =	sor.u32 s1, s0  }
0x34: {  	s0 =	sadd.s32 $0x8F2B, s0  }
0x35: {  	[sflag:s0] =	ssyncadd.remote.s32 $0x1  }
0x36: {  	_ =	sfence.sel $0xFFFF  }
0x37: {  	[dreg:$0x0] =	wrdreg $0xFFFFFFFF;
	(pc) =	sbr.abs _section_cstart, $3  }
0x38: {  	[dreg:$0x1] =	wrdreg $0xFFFFFFFF  }
0x39: {  	_ =	task.clear_ibuf [dreg:s7], $0x2FFFF;
	_ =	strace $0x9FFFFFFF  }
0x3a: {  	(tm) =	ssettm $0x7FFFFFFF  }
0x3b: {  	_ =	shalt  }
tec
execute0_lowered:
.L_overlay_start_1:
0x0: {  	(tag) =	ssettag $0x1  }
0x1: {  	s0 =	stileid.u32;
	s1 =	srdreg.scid  }
0x2: {  	s4 =	rddreg [dreg:$0x1];
	s7 =	simm.s32 $0x1;
	s31 =	simm.s32 $0x2  }
0x3: {  	s16 =	simm.s32 $0x0;
	s2 =	sshll.u32 s0, $0x5;
	s1 =	sshll.u32 s1, $0x9  }
0x4: {  	s9 =	simm.s32 $0x2000;
	s14 =	simm.s32 $0x0;
	s1 =	sor.u32 s2, s1  }
0x5: {  	s15 =	simm.s32 $0x0;
	s10 =	simm.s32 $0x0;
	s3 =	sand.u32 $0x380, s1  }
0x6: {  	s13 =	simm.s32 $0x0;
	s2 =	rddreg [dreg:$0x0];
	s5 =	ssub.s32 $0x400, s3  }
0x7: {  	s4 =	sadd.s32 $0x1E00, s4;
	s1 =	rddreg [dreg:$0x2];
	s6 =	sand.u32 $0x380, s5  }
.Ltmp0:
0x8: {  	_ =	strace $0x80000047;
	p0 =	sne.s32 s6, $0x0;
	(pc) =	sbr.rel .LBB1_1-.Ltmp0, $4  }
0x9: {  	s11 =	smov.u32 s3;
	s8 =	sshrl.u32 s5, $0xA;
	s7 =	simm.s32 @!p0 $0x0  }
0xa: {  	s5 =	sand.u32 $0x3, s0;
	s6 =	simm.s32 $0x1;
	s7 =	sadd.s32 s7, s8  }
0xb: {  	s12 =	smov.u32 s5;
	[sflag:s6] =	ssyncpa.u1 $0x0;
	s7 =	sshll.u32 s7, $0x4  }
0xc: {  	p0 =	por $0x0, $0x0;
	[sflag:s31] =	ssyncpa.u1 $0x0;
	s8 =	sor.u32 $0x1, s7  }
.LBB1_4:
0xd: {  	v5 =	vld [tilespmem:s20+$0xFFFFFFD0];
	[tilespmem:s19+$0x2040 ss:$0x81] =	vst.msk $0xffff, v1  }
0xe: {  	v58 =	vld [tilespmem:s20+$0xFFFFFFE0];
	[tilespmem:s19+$0x2850 ss:$0x81] =	vst.msk $0xffff, v2  }
0xf: {  	s21 =	sshra.s32 s21, $0x2;
	v59 =	vld [tilespmem:s20+$0xFFFFFFF0];
	[tilespmem:s19+$0x3060 ss:$0x81] =	vst.msk $0xffff, v3  }
0x10: {  	v60 =	vld [tilespmem:s20+$0x0];
	[tilespmem:s19+$0x0 ss:$0x81] =	vst.msk $0xffff, v0;
	s18 =	sadd.s32 s21, s18  }
0x11: {  	v61 =	vld [tilespmem:s20+$0x10];
	[tilespmem:s18+$0x3870 ss:$0x81] =	vst.msk $0xffff, v4  }
0x12: {  	v62 =	vld [tilespmem:s20+$0x20];
	s26 =	sshll.u32 s16, $0xA;
	s27 =	sshll.u32 s14, $0x3;
	[tilespmem:s18+$0x810 ss:$0x81] =	vst.msk $0xffff, v5  }
0x13: {  	v63 =	vld [tilespmem:s20+$0xFFFFFFC0];
	s29 =	sshll.u32 s16, $0x7;
	s30 =	sand.u32 $0x78, s14;
	s15 =	sshll.u32 s15, $0x12;
	[tilespmem:s18+$0x1020 ss:$0x81] =	vst.msk $0xffff, v58  }
0x14: {  	s19 =	sand.u32 $0x1FE000, s26;
	s28 =	sand.u32 $0x1FFC00, s27;
	s16 =	sand.u32 $0x380, s29;
	[tilespmem:s18+$0x1830 ss:$0x81] =	vst.msk $0xffff, v59  }
0x15: {  	s31 =	sand.u32 $0x7, s14;
	s19 =	sadd.s32 s28, s19;
	s16 =	sor.u32 s30, s16;
	[tilespmem:s18+$0x2040 ss:$0x81] =	vst.msk $0xffff, v60  }
0x16: {  	s15 =	sadd.s32 s4, s15;
	s19 =	sshrl.u32 s19, $0x3;
	s16 =	sshrl.u32 s16, $0x3;
	[tilespmem:s18+$0x2850 ss:$0x81] =	vst.msk $0xffff, v61  }
0x17: {  	s14 =	sshll.u32 s31, $0x12;
	s19 =	sand.u32 $0x3FF80, s19;
	s15 =	sadd.s32 s16, s15;
	[tilespmem:s18+$0x3060 ss:$0x81] =	vst.msk $0xffff, v62  }
0x18: {  	s14 =	sor.u32 $0x400, s14;
	[tilespmem:s18+$0x0 ss:$0x81] =	vst.msk $0xffff, v63;
	s15 =	sadd.s32 s19, s15  }
0x19: {  	[hbm4b:s15+s14] =	stream.strided.scatter [tilespmem:s17], [sflag:$0x2], $0x4000, s9, s14, $0x20;
	[tilespmem:$0x10100] =	vst v63  }
.LBB1_5:
0x1a: {  	s17 =	sadd.s32 $0x80, s10  }
0x1b: {  	s14 =	sadd.s32 $0x400, s11;
	s18 =	smov.u32 s11;
	p2 =	sgt.s32 s17, $0x7FF  }
0x1c: {  	s18 =	smov.u32 @p2 s14  }
0x1d: {  	s20 =	smov.u32 s12;
	s14 =	sadd.s32 $0x4, s12;
	p3 =	sgt.s32 s18, $0x3FF  }
0x1e: {  	s20 =	smov.u32 @p3 s14  }
0x1f: {  	s17 =	simm.s32 @p2 $0x0;
	p2 =	sgt.s32 s20, $0x3  }
0x20: {  	p1 =	slt.u32 s13, $0x2;
	s20 =	smov.u32 @p2 s5;
	p2 =	sne.s32 s13, s8  }
.Ltmp1:
0x21: {  	s19 =	simm.s32 @!p1 $0x2;
	(pc) =	sbr.rel @!p2 .LBB1_6-.Ltmp1, $4  }
0x22: {  	s16 =	smov.u32 s10;
	s15 =	smov.u32 s12;
	_ =	swait.ge @!p1 [sflag:s19], $0x4000  }
0x23: {  	p0 =	por !p0, !p0;
	[sflag:s19] =	ssyncset.done @!p1 $0x0;
	s10 =	smov.u32 s17  }
0x24: {  	s18 =	smov.u32 @p3 s3;
	s14 =	smov.u32 s11;
	[sflag:s19] =	ssyncadd.s32 @!p1 $0xFFFFC000  }
0x25: {  	s11 =	smov.u32 s18;
	s13 =	sadd.s32 $0x1, s13;
	s12 =	smov.u32 s20  }
.LBB1_1:
0x26: {  	p1 =	sge.u32 s13, s7;
	s31 =	sadd.s32 $0xFFFFFFFF, s13  }
0x27: {  	s17 =	sxor.u32 @!p1 $0xFFFFFFFF, s13;
	s18 =	sand.u32 @!p1 $0x78, s10;
	s19 =	sshll.u32 @!p1 s11, $0xB  }
0x28: {  	s20 =	sshll.u32 @!p1 s11, $0x7;
	s21 =	sshll.u32 @!p1 s10, $0x3;
	s17 =	sshll.u32 @!p1 s17, $0xE  }
0x29: {  	s19 =	sand.u32 @!p1 $0x1FC000, s19;
	s20 =	sand.u32 @!p1 $0x380, s20;
	s17 =	sand.u32 @!p1 $0x4000, s17  }
0x2a: {  	s19 =	sadd.s32 @!p1 s19, s21;
	s21 =	sand.u32 @!p1 $0x400, s21;
	s18 =	sor.u32 @!p1 s20, s18  }
0x2b: {  	s20 =	sshll.u32 @!p1 s12, $0x12;
	s18 =	sor.u32 @!p1 s21, s18;
	s19 =	sshrl.u32 @!p1 s19, $0x3  }
0x2c: {  	s20 =	sadd.s32 @!p1 s2, s20;
	s21 =	sand.u32 @!p1 $0x7, s10;
	s19 =	sand.u32 @!p1 $0x3FF00, s19  }
0x2d: {  	s18 =	sshrl.u32 @!p1 s18, $0x3;
	s19 =	sadd.s32 @!p1 s19, s20;
	s20 =	sshll.u32 @!p1 s21, $0x12  }
0x2e: {  	s18 =	sadd.s32 @!p1 s18, s19;
	s19 =	sor.u32 @!p1 $0x400, s20;
	s20 =	simm.s32 @!p1 $0x4000  }
0x2f: {  	[tilespmem:s17], [sflag:$0x1] =	stream.strided.gather @!p1 [hbm4b:s18+s19], $0x4000, s20, s19, $0x38;
	[tilespmem:$0x10100] =	vst v63  }
0x30: {  	p1 =	sge.u32 s31, s7  }
.Ltmp2:
0x31: {  	_ = 	snop;
	(pc) =	sbr.rel @p1 .LBB1_5-.Ltmp2, $1  }
0x32: {  	_ =	sdelay $0x3  }
0x33: {  	s17 =	simm.s32 $0x1  }
0x34: {  	_ =	swait.ge [sflag:s6], $0x4000;
	s17 =	simm.s32 @!p0 $0x0  }
0x35: {  	[sflag:s6] =	ssyncset.done $0x0;
	s18 =	sshll.u32 s17, $0xE  }
0x36: {  	[sflag:s6] =	ssyncadd.s32 $0xFFFFC000;
	s20 =	sor.u32 $0x40, s18  }
0x37: {  	s17 =	smul.u32 $0x10200, s17;
	v0 =	vld [tilespmem:s20+$0x30]  }
0x38: {  	v3 =	vld [tilespmem:s20+$0xFFFFFFD0]  }
0x39: {  	s17 =	sshrl.u32 s17, $0x2;
	v4 =	vld [tilespmem:s20+$0xFFFFFFE0]  }
0x3a: {  	v5 =	vld [tilespmem:s20+$0xFFFFFFF0];
	s18 =	sor.u32 $0x8000, s17  }
0x3b: {  	s31 =	sand.u32 $0x1, s13;
	v1 =	vld [tilespmem:s20+$0x0];
	s19 =	sadd.s32 $0x0, s18  }
0x3c: {  	v2 =	vld [tilespmem:s20+$0x10];
	s17 =	smul.u32 $0x10200, s31;
	[tilespmem:s19+$0x3870 ss:$0x81] =	vst.msk $0xffff, v0  }
0x3d: {  	[tilespmem:s19+$0x810 ss:$0x81] =	vst.msk $0xffff, v3;
	v3 =	vld [tilespmem:s20+$0x20]  }
0x3e: {  	s17 =	sshrl.u32 s17, $0x2;
	v0 =	vld [tilespmem:s20+$0xFFFFFFC0];
	[tilespmem:s19+$0x1020 ss:$0x81] =	vst.msk $0xffff, v4;
	s20 =	sadd.s32 $0x80, s20  }
0x3f: {  	s21 =	simm.s32 $0x4;
	s22 =	simm.s32 $0x8;
	s17 =	sor.u32 $0x8000, s17;
	[tilespmem:s19+$0x1830 ss:$0x81] =	vst.msk $0xffff, v5;
	v4 =	vld [tilespmem:s20+$0x30]  }
.LBB1_3:
0x40: {  	p1 =	sne.s32 s22, $0x1FC;
	v5 =	vld [tilespmem:s20+$0xFFFFFFD0];
	[tilespmem:s19+$0x2040 ss:$0x81] =	vst.msk $0xffff, v1  }
0x41: {  	v6 =	vld [tilespmem:s20+$0xFFFFFFE0];
	[tilespmem:s19+$0x2850 ss:$0x81] =	vst.msk $0xffff, v2  }
0x42: {  	s23 =	sshra.s32 s21, $0x2;
	s21 =	smov.u32 s22;
	v7 =	vld [tilespmem:s20+$0xFFFFFFF0];
	[tilespmem:s19+$0x3060 ss:$0x81] =	vst.msk $0xffff, v3  }
.Ltmp3:
0x43: {  	v1 =	vld [tilespmem:s20+$0x0];
	[tilespmem:s19+$0x0 ss:$0x81] =	vst.msk $0xffff, v0;
	s19 =	sadd.s32 s23, s18;
	(pc) =	sbr.rel @p1 .LBB1_3-.Ltmp3, $4  }
0x44: {  	v2 =	vld [tilespmem:s20+$0x10];
	[tilespmem:s19+$0x3870 ss:$0x81] =	vst.msk $0xffff, v4  }
0x45: {  	[tilespmem:s19+$0x810 ss:$0x81] =	vst.msk $0xffff, v5;
	v3 =	vld [tilespmem:s20+$0x20]  }
0x46: {  	v0 =	vld [tilespmem:s20+$0xFFFFFFC0];
	[tilespmem:s19+$0x1020 ss:$0x81] =	vst.msk $0xffff, v6;
	s20 =	sadd.s32 $0x80, s20  }
0x47: {  	s22 =	sadd.s32 $0x4, s22;
	v4 =	vld [tilespmem:s20+$0x30];
	[tilespmem:s19+$0x1830 ss:$0x81] =	vst.msk $0xffff, v7  }
.Ltmp4:
0x48: {  	_ = 	snop;
	(pc) =	sbr.rel .LBB1_4-.Ltmp4, $1  }
0x49: {  	_ =	sdelay $0x3  }
.LBB1_6:
0x4a: {  	_ =	sfence.sel $0x180000  }
0x4b: {  	s2 =	simm.s32 $0x1;
	[bflag:$0x0] =	sbarrier.arrive $0xFFFF  }
0x4c: {  	s31 =	simm.s32 $0x2;
	[sflag:s2] =	ssyncpa.u1 $0x1  }
0x4d: {  	[sflag:s31] =	ssyncpa.u1 $0x1  }
0x4e: {  	p0 =	sne.s32 s0, $0x0;
	_ =	strace $0x90000047  }
0x4f: {  	s0 =	sadd.s32 @!p0 $0x100000, s1;
	[bflag:$0x2] =	sbarrier.arrive $0xFFFF  }
0x50: {  	[sflag:s0] =	ssyncadd.tile.s32 @!p0 $0x1;
	_ =	shalt  }
.Lfunc_end1:
_tile_overlayer_lowered:
.L_overlay_start_2:
0x51: {  	(tag) =	ssettag $0x2  }
0x52: {  	s0 =	rddreg [dreg:$0x0];
	s2 =	stileid.u32  }
0x53: {  	s1 =	rddreg [dreg:$0x1];
	p0 =	sne.s32 s2, $0x0  }
0x54: {  	s3 =	rddreg [dreg:$0x2];
	[bflag:$0x3] =	sbarrier.arrive $0xFFFF;
	s2 =	simm.s32 @!p0 $0x1C01  }
0x55: {  	[timem:s3], [sflag:s2] =	dma.local @!p0 [hbm:s0], s1  }
0x56: {  	s0 =	simm.s32 @!p0 $0x1  }
0x57: {  	_ =	swait.ge @!p0 [sflag:s0], s1  }
0x58: {  	s1 =	ssub.s32 @!p0 $0x0, s1;
	[sflag:s0] =	ssyncset.done @!p0 $0x0  }
0x59: {  	[sflag:s0] =	ssyncadd.s32 @!p0 s1  }
0x5a: {  	[bflag:$0x3] =	sbarrier.arrive $0xFFFF  }
0x5b: {  	_ =	shalt  }

// kernel: sparse-core-data-format-call.cloned.1.call-start
scs
called_computation_lowered:
.L_overlay_start_0:
0x0: {  	s2 =	sld [smem:$0x3FD9]  }
0x1: {  	s3 =	sld [smem:$0x3FFE];
	_ =	sdelay $0x1  }
0x2: {  	s1 =	srdreg.scid  }
0x3: {  	s0 =	sand.u32 $0x1, s1  }
0x4: {  	s19 =	sshll.u32 s0, $0xA;
	s2 =	sadd.s32 s3, s2  }
0x5: {  	s2 =	sadd.s32 s2, s19  }
0x6: {  	[smem:$0x3FC1] =	sst s2  }
0x7: {  	_ = 	snop  }
0x8: {  	s20 =	sld [smem:$0x3FC9]  }
0x9: {  	s4 =	sld [smem:$0x3FD0];
	(tm) =	ssettm $0x1  }
0xa: {  	s21 =	sld [smem:$0x3FFB];
	_ =	sdelay $0x3  }
0xb: {  	_ =	strace s21  }
0xc: {  	s2 =	sld [smem:$0x3FFC];
	_ =	sdelay $0x3  }
0xd: {  	_ =	strace s2  }
0xe: {  	s2 =	sld [smem:$0x3FFD];
	_ =	sdelay $0x3  }
0xf: {  	_ =	strace s2  }
0x10: {  	_ =	strace $0x8FFFFFFF  }
0x11: {  	s22 =	sld [smem:$0x3FDB];
	_ =	sdelay $0x1  }
0x12: {  	s5 =	simm.s32 $_scs_section_size  }
0x13: {  	s6 =	simm.s32 $_size__tile_overlayer_lowered;
	s7 =	simm.s32 $_tile_overlayer_lowered  }
0x14: {  	s8 =	simm.s32 $0x1BFF;
	s23 =	sshll.u32 s7, $0x1;
	s5 =	sadd.s32 s5, s22  }
0x15: {  	s24 =	simm.s32 $0x0;
	s6 =	sshll.u32 s6, $0x1;
	s7 =	sadd.s32 s23, s5  }
0x16: {  	[timem:s24], [sflag:s8] =	dma.local [hbm:s7], s6  }
0x17: {  	_ =	swait.ge [sflag:s8], s6  }
0x18: {  	s6 =	ssub.s32 $0x0, s6;
	[sflag:s8] =	ssyncset.done $0x0  }
0x19: {  	[sflag:s8] =	ssyncadd.s32 s6;
	_ =	sdelay $0x1  }
0x1a: {  	s25 =	simm.s32 $0x1B8B  }
0x1b: {  	_ =	swait.ge [sflag:s25], $0x1  }
0x1c: {  	[sflag:s25] =	ssyncset.done $0x0  }
0x1d: {  	[sflag:s25] =	ssyncadd.s32 $0xFFFFFFFF  }
0x1e: {  	s6 =	sld [smem:$0x0]  }
0x1f: {  	s7 =	sand.u32 $0xFFFFFFFE, s1  }
0x20: {  	p0 =	sne.s32 s1, s7  }
0x21: {  	s7 =	sshll.u32 @p0 s7, $0xE  }
0x22: {  	s7 =	sadd.s32 @p0 $0x11B8D, s7;
	s8 =	sshll.u32 @p0 s6, $0x11  }
0x23: {  	s7 =	sor.u32 @p0 s8, s7  }
0x24: {  	[sflag:s7] =	ssyncadd.remote.s32 @p0 $0x1;
	_ =	sdelay $0x1  }
0x25: {  	s7 =	simm.s32 @p0 $0x1B8D  }
0x26: {  	_ =	swait.eq @p0 [sflag:s7], $0x1  }
0x27: {  	[sflag:s7] =	ssyncadd.s32 @p0 $0xFFFFFFFF  }
0x28: {  	s8 =	sshll.u32 @!p0 s1, $0xE  }
0x29: {  	s8 =	sor.u32 @!p0 $0x4000, s8;
	s7 =	simm.s32 @!p0 $0x1B8D  }
0x2a: {  	s6 =	sshll.u32 @!p0 s6, $0x11;
	s8 =	sadd.s32 @!p0 $0x11B8D, s8;
	_ =	swait.eq @!p0 [sflag:s7], $0x1  }
0x2b: {  	s6 =	sor.u32 @!p0 s6, s8;
	[sflag:s7] =	ssyncadd.s32 @!p0 $0xFFFFFFFF  }
0x2c: {  	s26 =	simm.s32 $0x1B8E;
	[sflag:s6] =	ssyncadd.remote.s32 @!p0 $0x1  }
0x2d: {  	s27 =	simm.s32 $execute0_lowered;
	[smem:$0x3FD2] =	sst s26  }
0x2e: {  	s6 =	sshll.u32 s27, $0x1;
	_ =	strace $0x80000049;
	[dreg:$0x1] =	wrdreg $0xFFFFFFFF  }
0x2f: {  	s28 =	simm.s32 $_size_execute0_lowered;
	s5 =	sadd.s32 s5, s6;
	[dreg:$0x0] =	wrdreg $0x0  }
0x30: {  	s6 =	sshll.u32 s28, $0x1;
	[dreg:$0x2] =	wrdreg s5  }
0x31: {  	[dreg:$0x3] =	wrdreg s6  }
0x32: {  	[dreg:$0x4] =	wrdreg $0xC0  }
0x33: {  	_ =	task [dreg:s24], $0x5FFFF  }
0x34: {  	[dreg:$0x1] =	wrdreg $0xFFFFFFFF  }
0x35: {  	[dreg:$0x0] =	wrdreg $0x60  }
0x36: {  	[dreg:$0x2] =	wrdreg s20  }
0x37: {  	[dreg:$0x3] =	wrdreg s4  }
0x38: {  	[dreg:$0x4] =	wrdreg $0x9  }
0x39: {  	_ =	task.clear_ibuf [dreg:s24], $0x5FFFF;
	_ =	strace $0x90000049  }
0x3a: {  	s29 =	simm.s32 $0x9;
	_ =	strace $0x8000004B  }
0x3b: {  	_ =	swait.ge [sflag:s29], $0x1  }
0x3c: {  	[sflag:s29] =	ssyncadd.s32 $0xFFFFFFFF  }
0x3d: {  	_ =	strace $0x9000004B  }
0x3e: {  	_ =	sfence  }
0x3f: {  	s30 =	sld [smem:$0x0];
	_ =	sdelay $0x2  }
0x40: {  	s31 =	sshll.u32 s1, $0xD;
	s1 =	sshrl.u32 s1, $0x2  }
0x41: {  	s4 =	sand.u32 $0x4000, s31;
	s1 =	sadd.s32 s1, s30  }
0x42: {  	s0 =	sor.u32 s4, s0;
	s1 =	sshll.u32 s1, $0x11  }
0x43: {  	s0 =	sor.u32 s1, s0  }
0x44: {  	s0 =	sadd.s32 $0x8F2B, s0  }
0x45: {  	[sflag:s0] =	ssyncadd.remote.s32 $0x1  }
0x46: {  	_ =	sfence.sel $0xFFFF  }
0x47: {  	[dreg:$0x0] =	wrdreg $0xFFFFFFFF;
	(pc) =	sbr.abs _section_cstart, $3  }
0x48: {  	[dreg:$0x1] =	wrdreg $0xFFFFFFFF  }
0x49: {  	_ =	task.clear_ibuf [dreg:s24], $0x2FFFF;
	_ =	strace $0x9FFFFFFF  }
0x4a: {  	(tm) =	ssettm $0x7FFFFFFF  }
0x4b: {  	_ =	shalt  }
tec
execute0_lowered:
.L_overlay_start_1:
0x0: {  	(tag) =	ssettag $0x1  }
0x1: {  	s0 =	stileid.u32;
	s3 =	rddreg [dreg:$0x0]  }
0x2: {  	s1 =	srdreg.scid;
	s4 =	rddreg [dreg:$0x1]  }
0x3: {  	s7 =	simm.s32 $0x1;
	s2 =	sshll.u32 s0, $0x5;
	s1 =	sshll.u32 s1, $0x9  }
0x4: {  	s31 =	simm.s32 $0x2;
	s16 =	simm.s32 $0x0;
	s1 =	sor.u32 s2, s1  }
0x5: {  	s9 =	simm.s32 $0x2000;
	s14 =	simm.s32 $0x0;
	s2 =	sand.u32 $0x380, s1  }
0x6: {  	s15 =	simm.s32 $0x0;
	s10 =	simm.s32 $0x0;
	s5 =	ssub.s32 $0x400, s2  }
0x7: {  	s13 =	simm.s32 $0x0;
	s1 =	rddreg [dreg:$0x2];
	s6 =	sand.u32 $0x380, s5  }
.Ltmp0:
0x8: {  	_ =	strace $0x8000004A;
	p0 =	sne.s32 s6, $0x0;
	(pc) =	sbr.rel .LBB1_1-.Ltmp0, $4  }
0x9: {  	s11 =	smov.u32 s2;
	s8 =	sshrl.u32 s5, $0xA;
	s7 =	simm.s32 @!p0 $0x0  }
0xa: {  	s5 =	sand.u32 $0x3, s0;
	s6 =	simm.s32 $0x1;
	s7 =	sadd.s32 s7, s8  }
0xb: {  	s12 =	smov.u32 s5;
	[sflag:s6] =	ssyncpa.u1 $0x0;
	s7 =	sshll.u32 s7, $0x4  }
0xc: {  	p0 =	por $0x0, $0x0;
	[sflag:s31] =	ssyncpa.u1 $0x0;
	s8 =	sor.u32 $0x1, s7  }
.LBB1_4:
0xd: {  	v5 =	vld [tilespmem:s20+$0xFFFFFFD0];
	[tilespmem:s19+$0x2040 ss:$0x81] =	vst.msk $0xffff, v1  }
0xe: {  	v58 =	vld [tilespmem:s20+$0xFFFFFFE0];
	[tilespmem:s19+$0x2850 ss:$0x81] =	vst.msk $0xffff, v2  }
0xf: {  	s21 =	sshra.s32 s21, $0x2;
	v59 =	vld [tilespmem:s20+$0xFFFFFFF0];
	[tilespmem:s19+$0x3060 ss:$0x81] =	vst.msk $0xffff, v3  }
0x10: {  	v60 =	vld [tilespmem:s20+$0x0];
	[tilespmem:s19+$0x0 ss:$0x81] =	vst.msk $0xffff, v0;
	s18 =	sadd.s32 s21, s18  }
0x11: {  	v61 =	vld [tilespmem:s20+$0x10];
	[tilespmem:s18+$0x3870 ss:$0x81] =	vst.msk $0xffff, v4  }
0x12: {  	v62 =	vld [tilespmem:s20+$0x20];
	s26 =	sshll.u32 s16, $0xA;
	s27 =	sshll.u32 s14, $0x3;
	[tilespmem:s18+$0x810 ss:$0x81] =	vst.msk $0xffff, v5  }
0x13: {  	v63 =	vld [tilespmem:s20+$0xFFFFFFC0];
	s29 =	sshll.u32 s16, $0x7;
	s30 =	sand.u32 $0x78, s14;
	s15 =	sshll.u32 s15, $0x12;
	[tilespmem:s18+$0x1020 ss:$0x81] =	vst.msk $0xffff, v58  }
0x14: {  	s19 =	sand.u32 $0x1FE000, s26;
	s28 =	sand.u32 $0x1FFC00, s27;
	s16 =	sand.u32 $0x380, s29;
	[tilespmem:s18+$0x1830 ss:$0x81] =	vst.msk $0xffff, v59  }
0x15: {  	s31 =	sand.u32 $0x7, s14;
	s19 =	sadd.s32 s28, s19;
	s16 =	sor.u32 s30, s16;
	[tilespmem:s18+$0x2040 ss:$0x81] =	vst.msk $0xffff, v60  }
0x16: {  	s15 =	sadd.s32 s4, s15;
	s19 =	sshrl.u32 s19, $0x3;
	s16 =	sshrl.u32 s16, $0x3;
	[tilespmem:s18+$0x2850 ss:$0x81] =	vst.msk $0xffff, v61  }
0x17: {  	s14 =	sshll.u32 s31, $0x12;
	s19 =	sand.u32 $0x3FF80, s19;
	s15 =	sadd.s32 s16, s15;
	[tilespmem:s18+$0x3060 ss:$0x81] =	vst.msk $0xffff, v62  }
0x18: {  	s14 =	sor.u32 $0x400, s14;
	[tilespmem:s18+$0x0 ss:$0x81] =	vst.msk $0xffff, v63;
	s15 =	sadd.s32 s19, s15  }
0x19: {  	[hbm4b:s15+s14] =	stream.strided.scatter [tilespmem:s17], [sflag:$0x2], $0x4000, s9, s14, $0x20;
	[tilespmem:$0x10100] =	vst v63  }
.LBB1_5:
0x1a: {  	s17 =	sadd.s32 $0x80, s10  }
0x1b: {  	s14 =	sadd.s32 $0x400, s11;
	s18 =	smov.u32 s11;
	p2 =	sgt.s32 s17, $0x7FF  }
0x1c: {  	s18 =	smov.u32 @p2 s14  }
0x1d: {  	s20 =	smov.u32 s12;
	s14 =	sadd.s32 $0x4, s12;
	p3 =	sgt.s32 s18, $0x3FF  }
0x1e: {  	s20 =	smov.u32 @p3 s14  }
0x1f: {  	s17 =	simm.s32 @p2 $0x0;
	p2 =	sgt.s32 s20, $0x3  }
0x20: {  	p1 =	slt.u32 s13, $0x2;
	s20 =	smov.u32 @p2 s5;
	p2 =	sne.s32 s13, s8  }
.Ltmp1:
0x21: {  	s19 =	simm.s32 @!p1 $0x2;
	(pc) =	sbr.rel @!p2 .LBB1_6-.Ltmp1, $4  }
0x22: {  	s16 =	smov.u32 s10;
	s15 =	smov.u32 s12;
	_ =	swait.ge @!p1 [sflag:s19], $0x4000  }
0x23: {  	p0 =	por !p0, !p0;
	[sflag:s19] =	ssyncset.done @!p1 $0x0;
	s10 =	smov.u32 s17  }
0x24: {  	s18 =	smov.u32 @p3 s2;
	s14 =	smov.u32 s11;
	[sflag:s19] =	ssyncadd.s32 @!p1 $0xFFFFC000  }
0x25: {  	s11 =	smov.u32 s18;
	s13 =	sadd.s32 $0x1, s13;
	s12 =	smov.u32 s20  }
.LBB1_1:
0x26: {  	p1 =	sge.u32 s13, s7;
	s31 =	sadd.s32 $0xFFFFFFFF, s13  }
0x27: {  	s17 =	sxor.u32 @!p1 $0xFFFFFFFF, s13;
	s18 =	sand.u32 @!p1 $0x78, s10;
	s19 =	sshll.u32 @!p1 s11, $0xB  }
0x28: {  	s20 =	sshll.u32 @!p1 s11, $0x7;
	s21 =	sshll.u32 @!p1 s10, $0x3;
	s17 =	sshll.u32 @!p1 s17, $0xE  }
0x29: {  	s19 =	sand.u32 @!p1 $0x1FC000, s19;
	s20 =	sand.u32 @!p1 $0x380, s20;
	s17 =	sand.u32 @!p1 $0x4000, s17  }
0x2a: {  	s19 =	sadd.s32 @!p1 s19, s21;
	s21 =	sand.u32 @!p1 $0x400, s21;
	s18 =	sor.u32 @!p1 s20, s18  }
0x2b: {  	s20 =	sshll.u32 @!p1 s12, $0x12;
	s18 =	sor.u32 @!p1 s21, s18;
	s19 =	sshrl.u32 @!p1 s19, $0x3  }
0x2c: {  	s20 =	sadd.s32 @!p1 s3, s20;
	s21 =	sand.u32 @!p1 $0x7, s10;
	s19 =	sand.u32 @!p1 $0x3FF00, s19  }
0x2d: {  	s18 =	sshrl.u32 @!p1 s18, $0x3;
	s19 =	sadd.s32 @!p1 s19, s20;
	s20 =	sshll.u32 @!p1 s21, $0x12  }
0x2e: {  	s18 =	sadd.s32 @!p1 s18, s19;
	s19 =	sor.u32 @!p1 $0x400, s20;
	s20 =	simm.s32 @!p1 $0x4000  }
0x2f: {  	[tilespmem:s17], [sflag:$0x1] =	stream.strided.gather @!p1 [hbm4b:s18+s19], $0x4000, s20, s19, $0x38;
	[tilespmem:$0x10100] =	vst v63  }
0x30: {  	p1 =	sge.u32 s31, s7  }
.Ltmp2:
0x31: {  	_ = 	snop;
	(pc) =	sbr.rel @p1 .LBB1_5-.Ltmp2, $1  }
0x32: {  	_ =	sdelay $0x3  }
0x33: {  	s17 =	simm.s32 $0x1  }
0x34: {  	_ =	swait.ge [sflag:s6], $0x4000;
	s17 =	simm.s32 @!p0 $0x0  }
0x35: {  	[sflag:s6] =	ssyncset.done $0x0;
	s18 =	sshll.u32 s17, $0xE  }
0x36: {  	[sflag:s6] =	ssyncadd.s32 $0xFFFFC000;
	s20 =	sor.u32 $0x40, s18  }
0x37: {  	s17 =	smul.u32 $0x10200, s17;
	v0 =	vld [tilespmem:s20+$0x30]  }
0x38: {  	v3 =	vld [tilespmem:s20+$0xFFFFFFD0]  }
0x39: {  	s17 =	sshrl.u32 s17, $0x2;
	v4 =	vld [tilespmem:s20+$0xFFFFFFE0]  }
0x3a: {  	v5 =	vld [tilespmem:s20+$0xFFFFFFF0];
	s18 =	sor.u32 $0x8000, s17  }
0x3b: {  	s31 =	sand.u32 $0x1, s13;
	v1 =	vld [tilespmem:s20+$0x0];
	s19 =	sadd.s32 $0x0, s18  }
0x3c: {  	v2 =	vld [tilespmem:s20+$0x10];
	s17 =	smul.u32 $0x10200, s31;
	[tilespmem:s19+$0x3870 ss:$0x81] =	vst.msk $0xffff, v0  }
0x3d: {  	[tilespmem:s19+$0x810 ss:$0x81] =	vst.msk $0xffff, v3;
	v3 =	vld [tilespmem:s20+$0x20]  }
0x3e: {  	s17 =	sshrl.u32 s17, $0x2;
	v0 =	vld [tilespmem:s20+$0xFFFFFFC0];
	[tilespmem:s19+$0x1020 ss:$0x81] =	vst.msk $0xffff, v4;
	s20 =	sadd.s32 $0x80, s20  }
0x3f: {  	s21 =	simm.s32 $0x4;
	s22 =	simm.s32 $0x8;
	s17 =	sor.u32 $0x8000, s17;
	[tilespmem:s19+$0x1830 ss:$0x81] =	vst.msk $0xffff, v5;
	v4 =	vld [tilespmem:s20+$0x30]  }
.LBB1_3:
0x40: {  	p1 =	sne.s32 s22, $0x1FC;
	v5 =	vld [tilespmem:s20+$0xFFFFFFD0];
	[tilespmem:s19+$0x2040 ss:$0x81] =	vst.msk $0xffff, v1  }
0x41: {  	v6 =	vld [tilespmem:s20+$0xFFFFFFE0];
	[tilespmem:s19+$0x2850 ss:$0x81] =	vst.msk $0xffff, v2  }
0x42: {  	s23 =	sshra.s32 s21, $0x2;
	s21 =	smov.u32 s22;
	v7 =	vld [tilespmem:s20+$0xFFFFFFF0];
	[tilespmem:s19+$0x3060 ss:$0x81] =	vst.msk $0xffff, v3  }
.Ltmp3:
0x43: {  	v1 =	vld [tilespmem:s20+$0x0];
	[tilespmem:s19+$0x0 ss:$0x81] =	vst.msk $0xffff, v0;
	s19 =	sadd.s32 s23, s18;
	(pc) =	sbr.rel @p1 .LBB1_3-.Ltmp3, $4  }
0x44: {  	v2 =	vld [tilespmem:s20+$0x10];
	[tilespmem:s19+$0x3870 ss:$0x81] =	vst.msk $0xffff, v4  }
0x45: {  	[tilespmem:s19+$0x810 ss:$0x81] =	vst.msk $0xffff, v5;
	v3 =	vld [tilespmem:s20+$0x20]  }
0x46: {  	v0 =	vld [tilespmem:s20+$0xFFFFFFC0];
	[tilespmem:s19+$0x1020 ss:$0x81] =	vst.msk $0xffff, v6;
	s20 =	sadd.s32 $0x80, s20  }
0x47: {  	s22 =	sadd.s32 $0x4, s22;
	v4 =	vld [tilespmem:s20+$0x30];
	[tilespmem:s19+$0x1830 ss:$0x81] =	vst.msk $0xffff, v7  }
.Ltmp4:
0x48: {  	_ = 	snop;
	(pc) =	sbr.rel .LBB1_4-.Ltmp4, $1  }
0x49: {  	_ =	sdelay $0x3  }
.LBB1_6:
0x4a: {  	_ =	sfence.sel $0x180000  }
0x4b: {  	s2 =	simm.s32 $0x1;
	[bflag:$0x0] =	sbarrier.arrive $0xFFFF  }
0x4c: {  	s31 =	simm.s32 $0x2;
	[sflag:s2] =	ssyncpa.u1 $0x1  }
0x4d: {  	[sflag:s31] =	ssyncpa.u1 $0x1  }
0x4e: {  	p0 =	sne.s32 s0, $0x0;
	_ =	strace $0x9000004A  }
0x4f: {  	s0 =	sadd.s32 @!p0 $0x100000, s1;
	[bflag:$0x2] =	sbarrier.arrive $0xFFFF  }
0x50: {  	[sflag:s0] =	ssyncadd.tile.s32 @!p0 $0x1;
	_ =	shalt  }
.Lfunc_end1:
_tile_overlayer_lowered:
.L_overlay_start_2:
0x51: {  	(tag) =	ssettag $0x2  }
0x52: {  	s0 =	rddreg [dreg:$0x0];
	s2 =	stileid.u32  }
0x53: {  	s1 =	rddreg [dreg:$0x1];
	p0 =	sne.s32 s2, $0x0  }
0x54: {  	s3 =	rddreg [dreg:$0x2];
	[bflag:$0x3] =	sbarrier.arrive $0xFFFF;
	s2 =	simm.s32 @!p0 $0x1C01  }
0x55: {  	[timem:s3], [sflag:s2] =	dma.local @!p0 [hbm:s0], s1  }
0x56: {  	s0 =	simm.s32 @!p0 $0x1  }
0x57: {  	_ =	swait.ge @!p0 [sflag:s0], s1  }
0x58: {  	s1 =	ssub.s32 @!p0 $0x0, s1;
	[sflag:s0] =	ssyncset.done @!p0 $0x0  }
0x59: {  	[sflag:s0] =	ssyncadd.s32 @!p0 s1  }
0x5a: {  	[bflag:$0x3] =	sbarrier.arrive $0xFFFF  }
0x5b: {  	_ =	shalt  }

</sc_bundles>
